<compile_context>
chip_gen: v7x
topology: tpu7x:2x2x1
jax: 0.10.2.dev20260603
libtpu: 0.0.44.dev20260713+nightly
codegen_flags: <defaults>
</compile_context>

<pallas_src>
import jax
import jax.numpy as jnp
from jax import lax
from jax.experimental import pallas as pl
from jax.experimental.pallas import tpu as pltpu
from jax.experimental.pallas import tpu_sc as plsc

_N = 64
_F = 16
_H = 64
_BG = 64


def _sc_body(e_hbm, c_hbm, deg_hbm, e_v, c_v, deg_v):
    cid = lax.axis_index("c")
    sid = lax.axis_index("s")

    @pl.when((cid == 0) & (sid == 0))
    def _():
        E = e_hbm.shape[1]
        pltpu.sync_copy(e_hbm, e_v)
        zeros = jnp.zeros((16,), jnp.float32)
        ones = jnp.ones((16,), jnp.float32)
        zeros_i = jnp.zeros((16,), jnp.int32)
        lane = lax.broadcasted_iota(jnp.int32, (16,), 0)

        def _zero(k, carry):
            c_v[k >> 2, pl.ds((k & 3) * 16, 16)] = zeros
            return carry
        lax.fori_loop(0, 4 * _N, _zero, 0)
        for q in range(4):
            deg_v[0, pl.ds(q * 16, 16)] = zeros

        def _edges(t, carry):
            s = e_v[0, pl.ds(t * 16, 16)]
            d = e_v[1, pl.ds(t * 16, 16)]
            for j in range(16):
                m = lane == j
                plsc.addupdate_scatter(c_v, [d, s], ones, mask=m)
                plsc.addupdate_scatter(deg_v, [zeros_i, d], ones, mask=m)
            return carry
        lax.fori_loop(0, E // 16, _edges, 0)
        pltpu.sync_copy(c_v, c_hbm)
        pltpu.sync_copy(deg_v, deg_hbm)


def _sc_build(edge_index):
    import functools
    mesh = plsc.VectorSubcoreMesh(core_axis_name="c", subcore_axis_name="s")
    k = functools.partial(
        pl.kernel, mesh=mesh,
        out_type=(jax.ShapeDtypeStruct((_N, _N), jnp.float32),
                  jax.ShapeDtypeStruct((1, _N), jnp.float32)),
        scratch_types=[pltpu.VMEM(edge_index.shape, jnp.int32),
                       pltpu.VMEM((_N, _N), jnp.float32),
                       pltpu.VMEM((1, _N), jnp.float32)],
        compiler_params=pltpu.CompilerParams(needs_layout_passes=False),
    )(_sc_body)
    return k(edge_index)


def _dg_w(x3, W):
    return lax.dot_general(x3, W, (((2,), (0,)), ((), ())),
                           preferred_element_type=jnp.float32)


def _dg_mix(A, x3):
    return lax.dot_general(A, x3.astype(jnp.bfloat16),
                           (((1,), (0,)), ((), ())),
                           preferred_element_type=jnp.float32)


def _ln_lrelu(h, g, be):
    mu = jnp.mean(h, axis=2, keepdims=True)
    var = jnp.mean((h - mu) ** 2, axis=2, keepdims=True)
    hn = (h - mu) * lax.rsqrt(var + 1e-5) * g + be
    return jnp.maximum(hn, 0.01 * hn)


def _body(x_ref, c_ref, dr_ref, W1r, b1r, W2r, b2r, W3r, b3r,
          rW1r, rb1r, rW2r, rb2r, rW3r, rb3r, fcWr, fcbr,
          g1r, be1r, g2r, be2r, g3r, be3r, gor, bor, unit_ref,
          out_ref, AIb_ref, Wc1_ref, Wc2_ref, Wc3_ref):
    i = pl.program_id(0)

    @pl.when(i == 0)
    def _build():
        f32 = jnp.float32
        r64 = lax.broadcasted_iota(jnp.int32, (_N, _N), 0)
        c64 = lax.broadcasted_iota(jnp.int32, (_N, _N), 1)
        eye = (r64 == c64).astype(f32)
        C = c_ref[...] + eye
        deg_r = dr_ref[...] + 1.0
        deg_c = jnp.sum(C, axis=1, keepdims=True)
        A0 = C * lax.rsqrt(deg_c) * lax.rsqrt(deg_r)
        AIb_ref[0:_N, :] = A0.astype(jnp.bfloat16)
        AIb_ref[_N:2 * _N, :] = eye.astype(jnp.bfloat16)
        Wc1_ref[0:_F, :] = W1r[...]
        Wc1_ref[_F:2 * _F, :] = rW1r[...]
        Wc2_ref[0:_H, :] = W2r[...]
        Wc2_ref[_H:2 * _H, :] = rW2r[...]
        Wc3_ref[0:2 * _H, :] = W3r[...]
        Wc3_ref[2 * _H:4 * _H, :] = rW3r[...]

    AIb = AIb_ref[...]
    A = AIb[0:_N, :]
    xb = x_ref[...]
    mx = lax.dot_general(AIb, xb.astype(jnp.bfloat16), (((1,), (1,)), ((), ())),
                         preferred_element_type=jnp.float32)
    x = mx[_N:2 * _N]
    h1 = (_dg_w(jnp.concatenate([mx[0:_N], x], axis=2), Wc1_ref[...])
          + b1r[...] + rb1r[...])
    x1 = _ln_lrelu(h1, g1r[...], be1r[...])
    h2 = (_dg_w(jnp.concatenate([_dg_mix(A, x1), x1], axis=2), Wc2_ref[...])
          + b2r[...] + rb2r[...])
    x2 = _ln_lrelu(h2, g2r[...], be2r[...])
    h3 = (_dg_w(jnp.concatenate([_dg_mix(A, x2), x2], axis=2), Wc3_ref[...])
          + b3r[...] + rb3r[...])
    x3 = _ln_lrelu(h3, g3r[...], be3r[...])
    h4 = (_dg_w(x3, fcWr[0:4 * _H, :])
          + _dg_w(x, fcWr[4 * _H:4 * _H + _F, :]) + fcbr[...])
    mu = jnp.mean(h4, axis=2, keepdims=True)
    var = jnp.mean((h4 - mu) ** 2, axis=2, keepdims=True)
    hn = (h4 - mu) * lax.rsqrt(var + 1e-5) * gor[...] + bor[...]
    out_ref[...] = jnp.tanh(hn) * unit_ref[...]


def kernel(state, edge_index, batch_size, rej_rate, theta_value,
           W1, b1, W2, b2, W3, b3, rW1, rb1, rW2, rb2, rW3, rb3, fcW, fcb,
           g1, be1, g2, be2, g3, be3, go, bo):
    B = state.shape[0] // _N
    grid = B // _BG
    f32 = jnp.float32
    c2d, deg_row = _sc_build(edge_index.astype(jnp.int32))
    unit = (jnp.asarray(batch_size).astype(f32) / jnp.asarray(B, f32)
            ).reshape(1, 1, 1)
    xb3 = state.astype(f32).reshape(B, _N, _F)
    row = lambda v: v.reshape(1, 1, -1).astype(f32)
    full = lambda a: pl.BlockSpec(a.shape, lambda i: (0,) * a.ndim)
    args = (c2d, deg_row, W1, row(b1), W2, row(b2), W3, row(b3),
            rW1, row(rb1), rW2, row(rb2), rW3, row(rb3), fcW, row(fcb),
            row(g1), row(be1), row(g2), row(be2), row(g3), row(be3),
            row(go), row(bo), unit)
    out = pl.pallas_call(
        _body,
        grid=(grid,),
        in_specs=[pl.BlockSpec((_BG, _N, _F), lambda i: (i, 0, 0))]
                 + [full(a) for a in args],
        out_specs=pl.BlockSpec((_N, _BG, 4), lambda i: (0, i, 0)),
        out_shape=jax.ShapeDtypeStruct((_N, B, 4), f32),
        scratch_shapes=[pltpu.VMEM((2 * _N, _N), jnp.bfloat16),
                        pltpu.VMEM((2 * _F, _H), f32),
                        pltpu.VMEM((2 * _H, 2 * _H), f32),
                        pltpu.VMEM((4 * _H, 4 * _H), f32)],
    )(xb3, *args)
    return out.transpose(1, 0, 2).reshape(B, _N * 4)

# --- scband reference (transcript-rebuilt; emitter-appended) ---
"""Pipeline reference for scband-gnn-encoder-73212012528427 (READ-ONLY COPY).

The authoritative reference and input builder live on the scoring server;
editing this copy changes nothing except your own understanding.
"""

import jax, jax.numpy as jnp
import numpy as np

NUM_AREA = 64
NUM_FEATURES = 16

def _ln(x, g, b):
    mu = jnp.mean(x, axis=-1, keepdims=True)
    var = jnp.mean((x - mu) ** 2, axis=-1, keepdims=True)
    return (x - mu) / jnp.sqrt(var + 1e-5) * g + b

def _gcn(x, W, b, src, dst, n):
    # GCNConv: lin -> add self loops -> sym norm -> scatter-add over dst (node_dim=-2, batched)
    h = x @ W
    loop = jnp.arange(n, dtype=src.dtype)
    s = jnp.concatenate([src, loop])
    d = jnp.concatenate([dst, loop])
    deg = jnp.zeros((n,), h.dtype).at[d].add(1.0)
    dinv = jnp.where(deg > 0, 1.0 / jnp.sqrt(deg), 0.0)
    norm = dinv[s] * dinv[d]
    msg = h[:, s, :] * norm[None, :, None]
    out = jnp.zeros_like(h).at[:, d, :].add(msg)
    return out + b

def _lrelu(x):
    return jnp.where(x > 0, x, 0.01 * x)

def _lin_init(k, i, o):
    k1, k2 = jax.random.split(k)
    s = 1.0 / np.sqrt(i)
    W = jax.random.uniform(k1, (i, o), jnp.float32, -s, s)
    b = jax.random.uniform(k2, (o,), jnp.float32, -s, s)
    return W, b

def setup_inputs(seed: int = 0):
    key = jax.random.key(seed)
    ks = jax.random.split(key, 10)
    B = 256; E = 1024; F = NUM_FEATURES; H = 64
    state = jax.random.normal(ks[0], (B * NUM_AREA, F), jnp.float32)
    edge_index = jax.random.randint(ks[1], (2, E), 0, NUM_AREA)
    W1, b1 = _lin_init(ks[2], F, H)
    W2, b2 = _lin_init(ks[3], H, 2 * H)
    W3, b3 = _lin_init(ks[4], 2 * H, 4 * H)
    rW1, rb1 = _lin_init(ks[5], F, H)
    rW2, rb2 = _lin_init(ks[6], H, 2 * H)
    rW3, rb3 = _lin_init(ks[7], 2 * H, 4 * H)
    fcW, fcb = _lin_init(ks[8], 4 * H + F, 4)
    return {"state": state, "edge_index": edge_index, "batch_size": B,
            "rej_rate": jnp.float32(0.1), "theta_value": jnp.float32(1.0),
            "W1": W1, "b1": b1, "W2": W2, "b2": b2, "W3": W3, "b3": b3,
            "rW1": rW1, "rb1": rb1, "rW2": rW2, "rb2": rb2, "rW3": rW3, "rb3": rb3,
            "fcW": fcW, "fcb": fcb,
            "g1": jnp.ones((H,), jnp.float32), "be1": jnp.zeros((H,), jnp.float32),
            "g2": jnp.ones((2 * H,), jnp.float32), "be2": jnp.zeros((2 * H,), jnp.float32),
            "g3": jnp.ones((4 * H,), jnp.float32), "be3": jnp.zeros((4 * H,), jnp.float32),
            "go": jnp.ones((4,), jnp.float32), "bo": jnp.zeros((4,), jnp.float32)}

def reference(state, edge_index, batch_size, rej_rate, theta_value,
              W1, b1, W2, b2, W3, b3, rW1, rb1, rW2, rb2, rW3, rb3, fcW, fcb,
              g1, be1, g2, be2, g3, be3, go, bo):
    B = state.shape[0] // NUM_AREA
    x = state.reshape(B, NUM_AREA, NUM_FEATURES)
    origin = x
    src = edge_index[0]; dst = edge_index[1]
    x = _lrelu(_ln(_gcn(x, W1, b1, src, dst, NUM_AREA) + (x @ rW1 + rb1), g1, be1))
    x = _lrelu(_ln(_gcn(x, W2, b2, src, dst, NUM_AREA) + (x @ rW2 + rb2), g2, be2))
    x = _lrelu(_ln(_gcn(x, W3, b3, src, dst, NUM_AREA) + (x @ rW3 + rb3), g3, be3))
    h = jnp.concatenate([x, origin], axis=2)
    h = h @ fcW + fcb
    h = _ln(h, go, bo)
    h = h.reshape(B, -1)
    unit = jnp.asarray(batch_size).astype(h.dtype) / jnp.asarray(B, h.dtype)
    return jnp.tanh(h) * unit

if __name__ == "__main__":
    import jax
    _d = setup_inputs()
    print(jax.jit(kernel)(*tuple(_d.values())))

</pallas_src>

<mosaic_0001>
#map = affine_map<(d0, d1) -> (0, 0)>
module attributes {stable_mosaic.version = 14 : i64} {
  func.func @_sc_body(%arg0: i32, %arg1: i32, %arg2: memref<2x1024xi32, #tpu.memory_space<hbm>>, %arg3: memref<64x64xf32, #tpu.memory_space<hbm>>, %arg4: memref<1x64xf32, #tpu.memory_space<hbm>>, %arg5: memref<2x1024xi32, #tpu.memory_space<vmem>>, %arg6: memref<64x64xf32, #tpu.memory_space<vmem>>, %arg7: memref<1x64xf32, #tpu.memory_space<vmem>>) attributes {dimension_semantics = [#tpu.dimension_semantics<core_parallel>, #tpu.dimension_semantics<subcore_parallel>], iteration_bounds = array<i64: 2, 16>, scalar_prefetch = 0 : i64, scratch_operands = 3 : i64, tpu.core_type = #tpu.core_type<sc_vector_subcore>, window_params = [{transform_indices = #map}, {transform_indices = #map}, {transform_indices = #map}]} {
    %eq3A = arith.constant 0 : i32
    %eq3A_0 = arith.cmpi eq, %arg0, %eq3A : i32
    %eq3A_1 = arith.constant 0 : i32
    %eq3A_2 = arith.cmpi eq, %arg1, %eq3A_1 : i32
    %and3A = arith.andi %eq3A_0, %eq3A_2 : i1
    %convert_element_type3A = arith.extui %and3A : i1 to i32
    %cond3A = arith.constant 0 : i32
    %cond3A_3 = arith.cmpi ne, %convert_element_type3A, %cond3A : i32
    scf.if %cond3A_3 {
      "tpu.region"() ({
        %run_scoped3A = tpu.sem_alloc : memref<!tpu.dma_semaphore, #tpu.memory_space<semaphore_mem>>
        tpu.enqueue_dma source(%arg2 : memref<2x1024xi32, #tpu.memory_space<hbm>>) target(%arg5 : memref<2x1024xi32, #tpu.memory_space<vmem>>) target_semaphore(%run_scoped3A : memref<!tpu.dma_semaphore, #tpu.memory_space<semaphore_mem>>)
        tpu.wait_dma2 semaphore(%run_scoped3A : memref<!tpu.dma_semaphore, #tpu.memory_space<semaphore_mem>>) src(%arg2 : memref<2x1024xi32, #tpu.memory_space<hbm>>) dst(%arg5 : memref<2x1024xi32, #tpu.memory_space<vmem>>)
        tpu.yield
      }) : () -> ()
      %broadcast_in_dim3A = arith.constant 0.000000e+00 : f32
      %broadcast_in_dim3A_4 = vector.broadcast %broadcast_in_dim3A : f32 to vector<16xf32>
      %broadcast_in_dim3A_5 = arith.constant 1.000000e+00 : f32
      %broadcast_in_dim3A_6 = vector.broadcast %broadcast_in_dim3A_5 : f32 to vector<16xf32>
      %broadcast_in_dim3A_7 = arith.constant 0 : i32
      %broadcast_in_dim3A_8 = vector.broadcast %broadcast_in_dim3A_7 : i32 to vector<16xi32>
      %iota3A = tpu.iota {dimensions = array<i32: 0>} : vector<16xi32>
      %scan3A = arith.constant 0 : i32
      %scan3A_9 = arith.constant 0 : i32
      %scan3A_10 = arith.constant 256 : i32
      %scan3A_11 = arith.addi %scan3A_9, %scan3A_10 : i32
      %scan3A_12 = arith.constant 1 : i32
      scf.for %scan3A_35 = %scan3A_9 to %scan3A_11 step %scan3A_12  : i32 {
        %shift_right_arithmetic3A = arith.constant 2 : i32
        %shift_right_arithmetic3A_36 = arith.shrsi %scan3A_35, %shift_right_arithmetic3A : i32
        %and3A_37 = arith.constant 3 : i32
        %and3A_38 = arith.andi %scan3A_35, %and3A_37 : i32
        %mul3A = arith.constant 16 : i32
        %mul3A_39 = arith.muli %and3A_38, %mul3A : i32
        %swap3A_40 = arith.index_cast %shift_right_arithmetic3A_36 : i32 to index
        %swap3A_41 = arith.index_cast %mul3A_39 : i32 to index
        %swap3A_42 = tpu.vector_load %arg6[%swap3A_40, %swap3A_41] {strides = array<i32>} : memref<64x64xf32, #tpu.memory_space<vmem>>, vector<16xf32>,
        tpu.vector_store %arg6[%swap3A_40, %swap3A_41], %broadcast_in_dim3A_4 {strides = array<i32>} : memref<64x64xf32, #tpu.memory_space<vmem>>, vector<16xf32>,
      }
      %scan3A_13 = arith.constant 256 : i32
      %swap3A = arith.constant 0 : i32
      %swap3A_14 = arith.index_cast %swap3A : i32 to index
      %swap3A_15 = arith.constant 0 : index
      %swap3A_16 = tpu.vector_load %arg7[%swap3A_14, %swap3A_15] {strides = array<i32>} : memref<1x64xf32, #tpu.memory_space<vmem>>, vector<16xf32>,
      tpu.vector_store %arg7[%swap3A_14, %swap3A_15], %broadcast_in_dim3A_4 {strides = array<i32>} : memref<1x64xf32, #tpu.memory_space<vmem>>, vector<16xf32>,
      %swap3A_17 = arith.constant 0 : i32
      %swap3A_18 = arith.index_cast %swap3A_17 : i32 to index
      %swap3A_19 = arith.constant 16 : index
      %swap3A_20 = tpu.vector_load %arg7[%swap3A_18, %swap3A_19] {strides = array<i32>} : memref<1x64xf32, #tpu.memory_space<vmem>>, vector<16xf32>,
      tpu.vector_store %arg7[%swap3A_18, %swap3A_19], %broadcast_in_dim3A_4 {strides = array<i32>} : memref<1x64xf32, #tpu.memory_space<vmem>>, vector<16xf32>,
      %swap3A_21 = arith.constant 0 : i32
      %swap3A_22 = arith.index_cast %swap3A_21 : i32 to index
      %swap3A_23 = arith.constant 32 : index
      %swap3A_24 = tpu.vector_load %arg7[%swap3A_22, %swap3A_23] {strides = array<i32>} : memref<1x64xf32, #tpu.memory_space<vmem>>, vector<16xf32>,
      tpu.vector_store %arg7[%swap3A_22, %swap3A_23], %broadcast_in_dim3A_4 {strides = array<i32>} : memref<1x64xf32, #tpu.memory_space<vmem>>, vector<16xf32>,
      %swap3A_25 = arith.constant 0 : i32
      %swap3A_26 = arith.index_cast %swap3A_25 : i32 to index
      %swap3A_27 = arith.constant 48 : index
      %swap3A_28 = tpu.vector_load %arg7[%swap3A_26, %swap3A_27] {strides = array<i32>} : memref<1x64xf32, #tpu.memory_space<vmem>>, vector<16xf32>,
      tpu.vector_store %arg7[%swap3A_26, %swap3A_27], %broadcast_in_dim3A_4 {strides = array<i32>} : memref<1x64xf32, #tpu.memory_space<vmem>>, vector<16xf32>,
      %scan3A_29 = arith.constant 0 : i32
      %scan3A_30 = arith.constant 0 : i32
      %scan3A_31 = arith.constant 64 : i32
      %scan3A_32 = arith.addi %scan3A_30, %scan3A_31 : i32
      %scan3A_33 = arith.constant 1 : i32
      scf.for %scan3A_35 = %scan3A_30 to %scan3A_32 step %scan3A_33  : i32 {
        %mul3A = arith.constant 16 : i32
        %mul3A_36 = arith.muli %scan3A_35, %mul3A : i32
        %get3A = arith.constant 0 : i32
        %get3A_37 = arith.index_cast %get3A : i32 to index
        %get3A_38 = arith.index_cast %mul3A_36 : i32 to index
        %get3A_39 = tpu.vector_load %arg5[%get3A_37, %get3A_38] {strides = array<i32>} : memref<2x1024xi32, #tpu.memory_space<vmem>>, vector<16xi32>,
        %mul3A_40 = arith.constant 16 : i32
        %mul3A_41 = arith.muli %scan3A_35, %mul3A_40 : i32
        %get3A_42 = arith.constant 1 : i32
        %get3A_43 = arith.index_cast %get3A_42 : i32 to index
        %get3A_44 = arith.index_cast %mul3A_41 : i32 to index
        %get3A_45 = tpu.vector_load %arg5[%get3A_43, %get3A_44] {strides = array<i32>} : memref<2x1024xi32, #tpu.memory_space<vmem>>, vector<16xi32>,
        %eq3A_46 = arith.constant 0 : i32
        %eq3A_47 = vector.broadcast %eq3A_46 : i32 to vector<16xi32>
        %eq3A_48 = arith.cmpi eq, %iota3A, %eq3A_47 : vector<16xi32>
        tpu.vector_store_idx %arg6[%get3A_45, %get3A_39], %broadcast_in_dim3A_6 masked %eq3A_48 {add = true} : memref<64x64xf32, #tpu.memory_space<vmem>>[vector<16xi32>, vector<16xi32>], vector<16xf32>, vector<16xi1>
        tpu.vector_store_idx %arg7[%broadcast_in_dim3A_8, %get3A_45], %broadcast_in_dim3A_6 masked %eq3A_48 {add = true} : memref<1x64xf32, #tpu.memory_space<vmem>>[vector<16xi32>, vector<16xi32>], vector<16xf32>, vector<16xi1>
        %eq3A_49 = arith.constant 1 : i32
        %eq3A_50 = vector.broadcast %eq3A_49 : i32 to vector<16xi32>
        %eq3A_51 = arith.cmpi eq, %iota3A, %eq3A_50 : vector<16xi32>
        tpu.vector_store_idx %arg6[%get3A_45, %get3A_39], %broadcast_in_dim3A_6 masked %eq3A_51 {add = true} : memref<64x64xf32, #tpu.memory_space<vmem>>[vector<16xi32>, vector<16xi32>], vector<16xf32>, vector<16xi1>
        tpu.vector_store_idx %arg7[%broadcast_in_dim3A_8, %get3A_45], %broadcast_in_dim3A_6 masked %eq3A_51 {add = true} : memref<1x64xf32, #tpu.memory_space<vmem>>[vector<16xi32>, vector<16xi32>], vector<16xf32>, vector<16xi1>
        %eq3A_52 = arith.constant 2 : i32
        %eq3A_53 = vector.broadcast %eq3A_52 : i32 to vector<16xi32>
        %eq3A_54 = arith.cmpi eq, %iota3A, %eq3A_53 : vector<16xi32>
        tpu.vector_store_idx %arg6[%get3A_45, %get3A_39], %broadcast_in_dim3A_6 masked %eq3A_54 {add = true} : memref<64x64xf32, #tpu.memory_space<vmem>>[vector<16xi32>, vector<16xi32>], vector<16xf32>, vector<16xi1>
        tpu.vector_store_idx %arg7[%broadcast_in_dim3A_8, %get3A_45], %broadcast_in_dim3A_6 masked %eq3A_54 {add = true} : memref<1x64xf32, #tpu.memory_space<vmem>>[vector<16xi32>, vector<16xi32>], vector<16xf32>, vector<16xi1>
        %eq3A_55 = arith.constant 3 : i32
        %eq3A_56 = vector.broadcast %eq3A_55 : i32 to vector<16xi32>
        %eq3A_57 = arith.cmpi eq, %iota3A, %eq3A_56 : vector<16xi32>
        tpu.vector_store_idx %arg6[%get3A_45, %get3A_39], %broadcast_in_dim3A_6 masked %eq3A_57 {add = true} : memref<64x64xf32, #tpu.memory_space<vmem>>[vector<16xi32>, vector<16xi32>], vector<16xf32>, vector<16xi1>
        tpu.vector_store_idx %arg7[%broadcast_in_dim3A_8, %get3A_45], %broadcast_in_dim3A_6 masked %eq3A_57 {add = true} : memref<1x64xf32, #tpu.memory_space<vmem>>[vector<16xi32>, vector<16xi32>], vector<16xf32>, vector<16xi1>
        %eq3A_58 = arith.constant 4 : i32
        %eq3A_59 = vector.broadcast %eq3A_58 : i32 to vector<16xi32>
        %eq3A_60 = arith.cmpi eq, %iota3A, %eq3A_59 : vector<16xi32>
        tpu.vector_store_idx %arg6[%get3A_45, %get3A_39], %broadcast_in_dim3A_6 masked %eq3A_60 {add = true} : memref<64x64xf32, #tpu.memory_space<vmem>>[vector<16xi32>, vector<16xi32>], vector<16xf32>, vector<16xi1>
        tpu.vector_store_idx %arg7[%broadcast_in_dim3A_8, %get3A_45], %broadcast_in_dim3A_6 masked %eq3A_60 {add = true} : memref<1x64xf32, #tpu.memory_space<vmem>>[vector<16xi32>, vector<16xi32>], vector<16xf32>, vector<16xi1>
        %eq3A_61 = arith.constant 5 : i32
        %eq3A_62 = vector.broadcast %eq3A_61 : i32 to vector<16xi32>
        %eq3A_63 = arith.cmpi eq, %iota3A, %eq3A_62 : vector<16xi32>
        tpu.vector_store_idx %arg6[%get3A_45, %get3A_39], %broadcast_in_dim3A_6 masked %eq3A_63 {add = true} : memref<64x64xf32, #tpu.memory_space<vmem>>[vector<16xi32>, vector<16xi32>], vector<16xf32>, vector<16xi1>
        tpu.vector_store_idx %arg7[%broadcast_in_dim3A_8, %get3A_45], %broadcast_in_dim3A_6 masked %eq3A_63 {add = true} : memref<1x64xf32, #tpu.memory_space<vmem>>[vector<16xi32>, vector<16xi32>], vector<16xf32>, vector<16xi1>
        %eq3A_64 = arith.constant 6 : i32
        %eq3A_65 = vector.broadcast %eq3A_64 : i32 to vector<16xi32>
        %eq3A_66 = arith.cmpi eq, %iota3A, %eq3A_65 : vector<16xi32>
        tpu.vector_store_idx %arg6[%get3A_45, %get3A_39], %broadcast_in_dim3A_6 masked %eq3A_66 {add = true} : memref<64x64xf32, #tpu.memory_space<vmem>>[vector<16xi32>, vector<16xi32>], vector<16xf32>, vector<16xi1>
        tpu.vector_store_idx %arg7[%broadcast_in_dim3A_8, %get3A_45], %broadcast_in_dim3A_6 masked %eq3A_66 {add = true} : memref<1x64xf32, #tpu.memory_space<vmem>>[vector<16xi32>, vector<16xi32>], vector<16xf32>, vector<16xi1>
        %eq3A_67 = arith.constant 7 : i32
        %eq3A_68 = vector.broadcast %eq3A_67 : i32 to vector<16xi32>
        %eq3A_69 = arith.cmpi eq, %iota3A, %eq3A_68 : vector<16xi32>
        tpu.vector_store_idx %arg6[%get3A_45, %get3A_39], %broadcast_in_dim3A_6 masked %eq3A_69 {add = true} : memref<64x64xf32, #tpu.memory_space<vmem>>[vector<16xi32>, vector<16xi32>], vector<16xf32>, vector<16xi1>
        tpu.vector_store_idx %arg7[%broadcast_in_dim3A_8, %get3A_45], %broadcast_in_dim3A_6 masked %eq3A_69 {add = true} : memref<1x64xf32, #tpu.memory_space<vmem>>[vector<16xi32>, vector<16xi32>], vector<16xf32>, vector<16xi1>
        %eq3A_70 = arith.constant 8 : i32
        %eq3A_71 = vector.broadcast %eq3A_70 : i32 to vector<16xi32>
        %eq3A_72 = arith.cmpi eq, %iota3A, %eq3A_71 : vector<16xi32>
        tpu.vector_store_idx %arg6[%get3A_45, %get3A_39], %broadcast_in_dim3A_6 masked %eq3A_72 {add = true} : memref<64x64xf32, #tpu.memory_space<vmem>>[vector<16xi32>, vector<16xi32>], vector<16xf32>, vector<16xi1>
        tpu.vector_store_idx %arg7[%broadcast_in_dim3A_8, %get3A_45], %broadcast_in_dim3A_6 masked %eq3A_72 {add = true} : memref<1x64xf32, #tpu.memory_space<vmem>>[vector<16xi32>, vector<16xi32>], vector<16xf32>, vector<16xi1>
        %eq3A_73 = arith.constant 9 : i32
        %eq3A_74 = vector.broadcast %eq3A_73 : i32 to vector<16xi32>
        %eq3A_75 = arith.cmpi eq, %iota3A, %eq3A_74 : vector<16xi32>
        tpu.vector_store_idx %arg6[%get3A_45, %get3A_39], %broadcast_in_dim3A_6 masked %eq3A_75 {add = true} : memref<64x64xf32, #tpu.memory_space<vmem>>[vector<16xi32>, vector<16xi32>], vector<16xf32>, vector<16xi1>
        tpu.vector_store_idx %arg7[%broadcast_in_dim3A_8, %get3A_45], %broadcast_in_dim3A_6 masked %eq3A_75 {add = true} : memref<1x64xf32, #tpu.memory_space<vmem>>[vector<16xi32>, vector<16xi32>], vector<16xf32>, vector<16xi1>
        %eq3A_76 = arith.constant 10 : i32
        %eq3A_77 = vector.broadcast %eq3A_76 : i32 to vector<16xi32>
        %eq3A_78 = arith.cmpi eq, %iota3A, %eq3A_77 : vector<16xi32>
        tpu.vector_store_idx %arg6[%get3A_45, %get3A_39], %broadcast_in_dim3A_6 masked %eq3A_78 {add = true} : memref<64x64xf32, #tpu.memory_space<vmem>>[vector<16xi32>, vector<16xi32>], vector<16xf32>, vector<16xi1>
        tpu.vector_store_idx %arg7[%broadcast_in_dim3A_8, %get3A_45], %broadcast_in_dim3A_6 masked %eq3A_78 {add = true} : memref<1x64xf32, #tpu.memory_space<vmem>>[vector<16xi32>, vector<16xi32>], vector<16xf32>, vector<16xi1>
        %eq3A_79 = arith.constant 11 : i32
        %eq3A_80 = vector.broadcast %eq3A_79 : i32 to vector<16xi32>
        %eq3A_81 = arith.cmpi eq, %iota3A, %eq3A_80 : vector<16xi32>
        tpu.vector_store_idx %arg6[%get3A_45, %get3A_39], %broadcast_in_dim3A_6 masked %eq3A_81 {add = true} : memref<64x64xf32, #tpu.memory_space<vmem>>[vector<16xi32>, vector<16xi32>], vector<16xf32>, vector<16xi1>
        tpu.vector_store_idx %arg7[%broadcast_in_dim3A_8, %get3A_45], %broadcast_in_dim3A_6 masked %eq3A_81 {add = true} : memref<1x64xf32, #tpu.memory_space<vmem>>[vector<16xi32>, vector<16xi32>], vector<16xf32>, vector<16xi1>
        %eq3A_82 = arith.constant 12 : i32
        %eq3A_83 = vector.broadcast %eq3A_82 : i32 to vector<16xi32>
        %eq3A_84 = arith.cmpi eq, %iota3A, %eq3A_83 : vector<16xi32>
        tpu.vector_store_idx %arg6[%get3A_45, %get3A_39], %broadcast_in_dim3A_6 masked %eq3A_84 {add = true} : memref<64x64xf32, #tpu.memory_space<vmem>>[vector<16xi32>, vector<16xi32>], vector<16xf32>, vector<16xi1>
        tpu.vector_store_idx %arg7[%broadcast_in_dim3A_8, %get3A_45], %broadcast_in_dim3A_6 masked %eq3A_84 {add = true} : memref<1x64xf32, #tpu.memory_space<vmem>>[vector<16xi32>, vector<16xi32>], vector<16xf32>, vector<16xi1>
        %eq3A_85 = arith.constant 13 : i32
        %eq3A_86 = vector.broadcast %eq3A_85 : i32 to vector<16xi32>
        %eq3A_87 = arith.cmpi eq, %iota3A, %eq3A_86 : vector<16xi32>
        tpu.vector_store_idx %arg6[%get3A_45, %get3A_39], %broadcast_in_dim3A_6 masked %eq3A_87 {add = true} : memref<64x64xf32, #tpu.memory_space<vmem>>[vector<16xi32>, vector<16xi32>], vector<16xf32>, vector<16xi1>
        tpu.vector_store_idx %arg7[%broadcast_in_dim3A_8, %get3A_45], %broadcast_in_dim3A_6 masked %eq3A_87 {add = true} : memref<1x64xf32, #tpu.memory_space<vmem>>[vector<16xi32>, vector<16xi32>], vector<16xf32>, vector<16xi1>
        %eq3A_88 = arith.constant 14 : i32
        %eq3A_89 = vector.broadcast %eq3A_88 : i32 to vector<16xi32>
        %eq3A_90 = arith.cmpi eq, %iota3A, %eq3A_89 : vector<16xi32>
        tpu.vector_store_idx %arg6[%get3A_45, %get3A_39], %broadcast_in_dim3A_6 masked %eq3A_90 {add = true} : memref<64x64xf32, #tpu.memory_space<vmem>>[vector<16xi32>, vector<16xi32>], vector<16xf32>, vector<16xi1>
        tpu.vector_store_idx %arg7[%broadcast_in_dim3A_8, %get3A_45], %broadcast_in_dim3A_6 masked %eq3A_90 {add = true} : memref<1x64xf32, #tpu.memory_space<vmem>>[vector<16xi32>, vector<16xi32>], vector<16xf32>, vector<16xi1>
        %eq3A_91 = arith.constant 15 : i32
        %eq3A_92 = vector.broadcast %eq3A_91 : i32 to vector<16xi32>
        %eq3A_93 = arith.cmpi eq, %iota3A, %eq3A_92 : vector<16xi32>
        tpu.vector_store_idx %arg6[%get3A_45, %get3A_39], %broadcast_in_dim3A_6 masked %eq3A_93 {add = true} : memref<64x64xf32, #tpu.memory_space<vmem>>[vector<16xi32>, vector<16xi32>], vector<16xf32>, vector<16xi1>
        tpu.vector_store_idx %arg7[%broadcast_in_dim3A_8, %get3A_45], %broadcast_in_dim3A_6 masked %eq3A_93 {add = true} : memref<1x64xf32, #tpu.memory_space<vmem>>[vector<16xi32>, vector<16xi32>], vector<16xf32>, vector<16xi1>
      }
      %scan3A_34 = arith.constant 64 : i32
      "tpu.region"() ({
        %run_scoped3A = tpu.sem_alloc : memref<!tpu.dma_semaphore, #tpu.memory_space<semaphore_mem>>
        tpu.enqueue_dma source(%arg6 : memref<64x64xf32, #tpu.memory_space<vmem>>) target(%arg3 : memref<64x64xf32, #tpu.memory_space<hbm>>) target_semaphore(%run_scoped3A : memref<!tpu.dma_semaphore, #tpu.memory_space<semaphore_mem>>)
        tpu.wait_dma2 semaphore(%run_scoped3A : memref<!tpu.dma_semaphore, #tpu.memory_space<semaphore_mem>>) src(%arg6 : memref<64x64xf32, #tpu.memory_space<vmem>>) dst(%arg3 : memref<64x64xf32, #tpu.memory_space<hbm>>)
        tpu.yield
      }) : () -> ()
      "tpu.region"() ({
        %run_scoped3A = tpu.sem_alloc : memref<!tpu.dma_semaphore, #tpu.memory_space<semaphore_mem>>
        tpu.enqueue_dma source(%arg7 : memref<1x64xf32, #tpu.memory_space<vmem>>) target(%arg4 : memref<1x64xf32, #tpu.memory_space<hbm>>) target_semaphore(%run_scoped3A : memref<!tpu.dma_semaphore, #tpu.memory_space<semaphore_mem>>)
        tpu.wait_dma2 semaphore(%run_scoped3A : memref<!tpu.dma_semaphore, #tpu.memory_space<semaphore_mem>>) src(%arg7 : memref<1x64xf32, #tpu.memory_space<vmem>>) dst(%arg4 : memref<1x64xf32, #tpu.memory_space<hbm>>)
        tpu.yield
      }) : () -> ()
    } else {
    }
    return
  }
}

module attributes {stable_mosaic.version = 14 : i64} {
  func.func @_body(%arg0: i32, %arg1: memref<64x64x16xf32, #tpu.memory_space<vmem>>, %arg2: memref<64x64xf32, #tpu.memory_space<vmem>>, %arg3: memref<1x64xf32, #tpu.memory_space<vmem>>, %arg4: memref<16x64xf32, #tpu.memory_space<vmem>>, %arg5: memref<1x1x64xf32, #tpu.memory_space<vmem>>, %arg6: memref<64x128xf32, #tpu.memory_space<vmem>>, %arg7: memref<1x1x128xf32, #tpu.memory_space<vmem>>, %arg8: memref<128x256xf32, #tpu.memory_space<vmem>>, %arg9: memref<1x1x256xf32, #tpu.memory_space<vmem>>, %arg10: memref<16x64xf32, #tpu.memory_space<vmem>>, %arg11: memref<1x1x64xf32, #tpu.memory_space<vmem>>, %arg12: memref<64x128xf32, #tpu.memory_space<vmem>>, %arg13: memref<1x1x128xf32, #tpu.memory_space<vmem>>, %arg14: memref<128x256xf32, #tpu.memory_space<vmem>>, %arg15: memref<1x1x256xf32, #tpu.memory_space<vmem>>, %arg16: memref<272x4xf32, #tpu.memory_space<vmem>>, %arg17: memref<1x1x4xf32, #tpu.memory_space<vmem>>, %arg18: memref<1x1x64xf32, #tpu.memory_space<vmem>>, %arg19: memref<1x1x64xf32, #tpu.memory_space<vmem>>, %arg20: memref<1x1x128xf32, #tpu.memory_space<vmem>>, %arg21: memref<1x1x128xf32, #tpu.memory_space<vmem>>, %arg22: memref<1x1x256xf32, #tpu.memory_space<vmem>>, %arg23: memref<1x1x256xf32, #tpu.memory_space<vmem>>, %arg24: memref<1x1x4xf32, #tpu.memory_space<vmem>>, %arg25: memref<1x1x4xf32, #tpu.memory_space<vmem>>, %arg26: memref<1x1x1xf32, #tpu.memory_space<vmem>>, %arg27: memref<64x64x4xf32, #tpu.memory_space<vmem>>, %arg28: memref<128x64xbf16, #tpu.memory_space<vmem>>, %arg29: memref<32x64xf32, #tpu.memory_space<vmem>>, %arg30: memref<128x128xf32, #tpu.memory_space<vmem>>, %arg31: memref<256x256xf32, #tpu.memory_space<vmem>>) attributes {dimension_semantics = [#tpu.dimension_semantics<arbitrary>], iteration_bounds = array<i64: 4>, scalar_prefetch = 0 : i64, scratch_operands = 4 : i64, tpu.core_type = #tpu.core_type<tc>, window_params = [{transform_indices = @transform_0, window_bounds = array<i64: 64, 64, 16>}, {pipeline_mode = #tpu.pipeline_mode<synchronous>, transform_indices = @transform_1, window_bounds = array<i64: 64, 64>}, {pipeline_mode = #tpu.pipeline_mode<synchronous>, transform_indices = @transform_2, window_bounds = array<i64: 1, 64>}, {pipeline_mode = #tpu.pipeline_mode<synchronous>, transform_indices = @transform_3, window_bounds = array<i64: 16, 64>}, {pipeline_mode = #tpu.pipeline_mode<synchronous>, transform_indices = @transform_4, window_bounds = array<i64: 1, 1, 64>}, {pipeline_mode = #tpu.pipeline_mode<synchronous>, transform_indices = @transform_5, window_bounds = array<i64: 64, 128>}, {pipeline_mode = #tpu.pipeline_mode<synchronous>, transform_indices = @transform_6, window_bounds = array<i64: 1, 1, 128>}, {pipeline_mode = #tpu.pipeline_mode<synchronous>, transform_indices = @transform_7, window_bounds = array<i64: 128, 256>}, {pipeline_mode = #tpu.pipeline_mode<synchronous>, transform_indices = @transform_8, window_bounds = array<i64: 1, 1, 256>}, {pipeline_mode = #tpu.pipeline_mode<synchronous>, transform_indices = @transform_9, window_bounds = array<i64: 16, 64>}, {pipeline_mode = #tpu.pipeline_mode<synchronous>, transform_indices = @transform_10, window_bounds = array<i64: 1, 1, 64>}, {pipeline_mode = #tpu.pipeline_mode<synchronous>, transform_indices = @transform_11, window_bounds = array<i64: 64, 128>}, {pipeline_mode = #tpu.pipeline_mode<synchronous>, transform_indices = @transform_12, window_bounds = array<i64: 1, 1, 128>}, {pipeline_mode = #tpu.pipeline_mode<synchronous>, transform_indices = @transform_13, window_bounds = array<i64: 128, 256>}, {pipeline_mode = #tpu.pipeline_mode<synchronous>, transform_indices = @transform_14, window_bounds = array<i64: 1, 1, 256>}, {pipeline_mode = #tpu.pipeline_mode<synchronous>, transform_indices = @transform_15, window_bounds = array<i64: 272, 4>}, {pipeline_mode = #tpu.pipeline_mode<synchronous>, transform_indices = @transform_16, window_bounds = array<i64: 1, 1, 4>}, {pipeline_mode = #tpu.pipeline_mode<synchronous>, transform_indices = @transform_17, window_bounds = array<i64: 1, 1, 64>}, {pipeline_mode = #tpu.pipeline_mode<synchronous>, transform_indices = @transform_18, window_bounds = array<i64: 1, 1, 64>}, {pipeline_mode = #tpu.pipeline_mode<synchronous>, transform_indices = @transform_19, window_bounds = array<i64: 1, 1, 128>}, {pipeline_mode = #tpu.pipeline_mode<synchronous>, transform_indices = @transform_20, window_bounds = array<i64: 1, 1, 128>}, {pipeline_mode = #tpu.pipeline_mode<synchronous>, transform_indices = @transform_21, window_bounds = array<i64: 1, 1, 256>}, {pipeline_mode = #tpu.pipeline_mode<synchronous>, transform_indices = @transform_22, window_bounds = array<i64: 1, 1, 256>}, {pipeline_mode = #tpu.pipeline_mode<synchronous>, transform_indices = @transform_23, window_bounds = array<i64: 1, 1, 4>}, {pipeline_mode = #tpu.pipeline_mode<synchronous>, transform_indices = @transform_24, window_bounds = array<i64: 1, 1, 4>}, {pipeline_mode = #tpu.pipeline_mode<synchronous>, transform_indices = @transform_25, window_bounds = array<i64: 1, 1, 1>}, {transform_indices = @transform_26, window_bounds = array<i64: 64, 64, 4>}]} {
    %eq3A = arith.constant 0 : i32
    %eq3A_0 = arith.cmpi eq, %arg0, %eq3A : i32
    %convert_element_type3A = arith.extui %eq3A_0 : i1 to i32
    %cond3A = arith.constant 0 : i32
    %cond3A_1 = arith.cmpi ne, %convert_element_type3A, %cond3A : i32
    scf.if %cond3A_1 {
      %iota3A = tpu.iota {dimensions = array<i32: 0>} : vector<64x64xi32>
      %iota3A_240 = tpu.iota {dimensions = array<i32: 1>} : vector<64x64xi32>
      %eq3A_241 = arith.cmpi eq, %iota3A, %iota3A_240 : vector<64x64xi32>
      %convert_element_type3A_242 = arith.extui %eq3A_241 : vector<64x64xi1> to vector<64x64xi32>
      %convert_element_type3A_243 = arith.sitofp %convert_element_type3A_242 : vector<64x64xi32> to vector<64x64xf32>
      %get3A_244 = arith.constant 0 : index
      %get3A_245 = arith.constant 0 : index
      %get3A_246 = vector.load %arg2[%get3A_244, %get3A_245] : memref<64x64xf32, #tpu.memory_space<vmem>>, vector<64x64xf32>
      %add3A_247 = arith.addf %get3A_246, %convert_element_type3A_243 : vector<64x64xf32>
      %get3A_248 = arith.constant 0 : index
      %get3A_249 = arith.constant 0 : index
      %get3A_250 = vector.load %arg3[%get3A_248, %get3A_249] : memref<1x64xf32, #tpu.memory_space<vmem>>, vector<1x64xf32>
      %add3A_251 = arith.constant 1.000000e+00 : f32
      %add3A_252 = vector.broadcast %add3A_251 : f32 to vector<1x64xf32>
      %add3A_253 = arith.addf %get3A_250, %add3A_252 : vector<1x64xf32>
      %reduce_sum3A_254 = arith.constant dense<0.000000e+00> : vector<64xf32>
      %reduce_sum3A_255 = vector.multi_reduction <add>, %add3A_247, %reduce_sum3A_254 [1] : vector<64x64xf32> to vector<64xf32>
      %broadcast_in_dim3A_256 = vector.shape_cast %reduce_sum3A_255 : vector<64xf32> to vector<64x1xf32>
      %rsqrt3A_257 = math.rsqrt %broadcast_in_dim3A_256 : vector<64x1xf32>
      %mul3A_258 = vector.broadcast %rsqrt3A_257 : vector<64x1xf32> to vector<64x64xf32>
      %mul3A_259 = arith.mulf %add3A_247, %mul3A_258 : vector<64x64xf32>
      %rsqrt3A_260 = math.rsqrt %add3A_253 : vector<1x64xf32>
      %mul3A_261 = vector.broadcast %rsqrt3A_260 : vector<1x64xf32> to vector<64x64xf32>
      %mul3A_262 = arith.mulf %mul3A_259, %mul3A_261 : vector<64x64xf32>
      %convert_element_type3A_263 = arith.truncf %mul3A_262 : vector<64x64xf32> to vector<64x64xbf16>
      %swap3A_264 = arith.constant 0 : index
      %swap3A_265 = arith.constant 0 : index
      %swap3A_266 = vector.load %arg28[%swap3A_264, %swap3A_265] : memref<128x64xbf16, #tpu.memory_space<vmem>>, vector<64x64xbf16>
      tpu.vector_store %arg28[%swap3A_264, %swap3A_265], %convert_element_type3A_263 {strides = array<i32>} : memref<128x64xbf16, #tpu.memory_space<vmem>>, vector<64x64xbf16>,
      %convert_element_type3A_267 = arith.truncf %convert_element_type3A_243 : vector<64x64xf32> to vector<64x64xbf16>
      %swap3A_268 = arith.constant 64 : index
      %swap3A_269 = arith.constant 0 : index
      %swap3A_270 = vector.load %arg28[%swap3A_268, %swap3A_269] : memref<128x64xbf16, #tpu.memory_space<vmem>>, vector<64x64xbf16>
      tpu.vector_store %arg28[%swap3A_268, %swap3A_269], %convert_element_type3A_267 {strides = array<i32>} : memref<128x64xbf16, #tpu.memory_space<vmem>>, vector<64x64xbf16>,
      %get3A_271 = arith.constant 0 : index
      %get3A_272 = arith.constant 0 : index
      %get3A_273 = vector.load %arg4[%get3A_271, %get3A_272] : memref<16x64xf32, #tpu.memory_space<vmem>>, vector<16x64xf32>
      %swap3A_274 = arith.constant 0 : index
      %swap3A_275 = arith.constant 0 : index
      %swap3A_276 = vector.load %arg29[%swap3A_274, %swap3A_275] : memref<32x64xf32, #tpu.memory_space<vmem>>, vector<16x64xf32>
      tpu.vector_store %arg29[%swap3A_274, %swap3A_275], %get3A_273 {strides = array<i32>} : memref<32x64xf32, #tpu.memory_space<vmem>>, vector<16x64xf32>,
      %get3A_277 = arith.constant 0 : index
      %get3A_278 = arith.constant 0 : index
      %get3A_279 = vector.load %arg10[%get3A_277, %get3A_278] : memref<16x64xf32, #tpu.memory_space<vmem>>, vector<16x64xf32>
      %swap3A_280 = arith.constant 16 : index
      %swap3A_281 = arith.constant 0 : index
      %swap3A_282 = vector.load %arg29[%swap3A_280, %swap3A_281] : memref<32x64xf32, #tpu.memory_space<vmem>>, vector<16x64xf32>
      tpu.vector_store %arg29[%swap3A_280, %swap3A_281], %get3A_279 {strides = array<i32>} : memref<32x64xf32, #tpu.memory_space<vmem>>, vector<16x64xf32>,
      %get3A_283 = arith.constant 0 : index
      %get3A_284 = arith.constant 0 : index
      %get3A_285 = vector.load %arg6[%get3A_283, %get3A_284] : memref<64x128xf32, #tpu.memory_space<vmem>>, vector<64x128xf32>
      %swap3A_286 = arith.constant 0 : index
      %swap3A_287 = arith.constant 0 : index
      %swap3A_288 = vector.load %arg30[%swap3A_286, %swap3A_287] : memref<128x128xf32, #tpu.memory_space<vmem>>, vector<64x128xf32>
      tpu.vector_store %arg30[%swap3A_286, %swap3A_287], %get3A_285 {strides = array<i32>} : memref<128x128xf32, #tpu.memory_space<vmem>>, vector<64x128xf32>,
      %get3A_289 = arith.constant 0 : index
      %get3A_290 = arith.constant 0 : index
      %get3A_291 = vector.load %arg12[%get3A_289, %get3A_290] : memref<64x128xf32, #tpu.memory_space<vmem>>, vector<64x128xf32>
      %swap3A_292 = arith.constant 64 : index
      %swap3A_293 = arith.constant 0 : index
      %swap3A_294 = vector.load %arg30[%swap3A_292, %swap3A_293] : memref<128x128xf32, #tpu.memory_space<vmem>>, vector<64x128xf32>
      tpu.vector_store %arg30[%swap3A_292, %swap3A_293], %get3A_291 {strides = array<i32>} : memref<128x128xf32, #tpu.memory_space<vmem>>, vector<64x128xf32>,
      %get3A_295 = arith.constant 0 : index
      %get3A_296 = arith.constant 0 : index
      %get3A_297 = vector.load %arg8[%get3A_295, %get3A_296] : memref<128x256xf32, #tpu.memory_space<vmem>>, vector<128x256xf32>
      %swap3A_298 = arith.constant 0 : index
      %swap3A_299 = arith.constant 0 : index
      %swap3A_300 = vector.load %arg31[%swap3A_298, %swap3A_299] : memref<256x256xf32, #tpu.memory_space<vmem>>, vector<128x256xf32>
      tpu.vector_store %arg31[%swap3A_298, %swap3A_299], %get3A_297 {strides = array<i32>} : memref<256x256xf32, #tpu.memory_space<vmem>>, vector<128x256xf32>,
      %get3A_301 = arith.constant 0 : index
      %get3A_302 = arith.constant 0 : index
      %get3A_303 = vector.load %arg14[%get3A_301, %get3A_302] : memref<128x256xf32, #tpu.memory_space<vmem>>, vector<128x256xf32>
      %swap3A_304 = arith.constant 128 : index
      %swap3A_305 = arith.constant 0 : index
      %swap3A_306 = vector.load %arg31[%swap3A_304, %swap3A_305] : memref<256x256xf32, #tpu.memory_space<vmem>>, vector<128x256xf32>
      tpu.vector_store %arg31[%swap3A_304, %swap3A_305], %get3A_303 {strides = array<i32>} : memref<256x256xf32, #tpu.memory_space<vmem>>, vector<128x256xf32>,
    } else {
    }
    %get3A = arith.constant 0 : index
    %get3A_2 = arith.constant 0 : index
    %get3A_3 = vector.load %arg28[%get3A, %get3A_2] : memref<128x64xbf16, #tpu.memory_space<vmem>>, vector<128x64xbf16>
    %slice3A = vector.extract_strided_slice %get3A_3 {offsets = [0, 0], sizes = [64, 64], strides = [1, 1]} : vector<128x64xbf16> to vector<64x64xbf16>
    %get3A_4 = arith.constant 0 : index
    %get3A_5 = arith.constant 0 : index
    %get3A_6 = arith.constant 0 : index
    %get3A_7 = vector.load %arg1[%get3A_4, %get3A_5, %get3A_6] : memref<64x64x16xf32, #tpu.memory_space<vmem>>, vector<64x64x16xf32>
    %convert_element_type3A_8 = arith.truncf %get3A_7 : vector<64x64x16xf32> to vector<64x64x16xbf16>
    %dot_general3A = arith.constant dense<0.000000e+00> : vector<128x64x16xf32>
    %dot_general3A_9 = tpu.matmul %get3A_3, %convert_element_type3A_8, %dot_general3A {dimension_numbers = #tpu.dot_dimension_numbers<[1], [1], [0], [0, 2], [0, 0, 1, 0, 1, 2], [], []>, transpose_lhs_hint = false} : vector<128x64xbf16>, vector<64x64x16xbf16>, vector<128x64x16xf32> -> vector<128x64x16xf32>
    %slice3A_10 = vector.extract_strided_slice %dot_general3A_9 {offsets = [64, 0, 0], sizes = [64, 64, 16], strides = [1, 1, 1]} : vector<128x64x16xf32> to vector<64x64x16xf32>
    %slice3A_11 = vector.extract_strided_slice %dot_general3A_9 {offsets = [0, 0, 0], sizes = [64, 64, 16], strides = [1, 1, 1]} : vector<128x64x16xf32> to vector<64x64x16xf32>
    %concatenate3A = tpu.concatenate %slice3A_11, %slice3A_10 in 2 : vector<64x64x16xf32>, vector<64x64x16xf32> -> vector<64x64x32xf32>
    %get3A_12 = arith.constant 0 : index
    %get3A_13 = arith.constant 0 : index
    %get3A_14 = vector.load %arg29[%get3A_12, %get3A_13] : memref<32x64xf32, #tpu.memory_space<vmem>>, vector<32x64xf32>
    %dot_general3A_15 = arith.constant dense<0.000000e+00> : vector<64x64x64xf32>
    %dot_general3A_16 = tpu.matmul %concatenate3A, %get3A_14, %dot_general3A_15 {dimension_numbers = #tpu.dot_dimension_numbers<[2], [0], [0, 1], [1], [0, 0, 0, 1, 1, 1], [], []>, transpose_lhs_hint = false} : vector<64x64x32xf32>, vector<32x64xf32>, vector<64x64x64xf32> -> vector<64x64x64xf32>
    %get3A_17 = arith.constant 0 : index
    %get3A_18 = arith.constant 0 : index
    %get3A_19 = arith.constant 0 : index
    %get3A_20 = vector.load %arg5[%get3A_17, %get3A_18, %get3A_19] : memref<1x1x64xf32, #tpu.memory_space<vmem>>, vector<1x1x64xf32>
    %add3A = vector.broadcast %get3A_20 : vector<1x1x64xf32> to vector<64x64x64xf32>
    %add3A_21 = arith.addf %dot_general3A_16, %add3A : vector<64x64x64xf32>
    %get3A_22 = arith.constant 0 : index
    %get3A_23 = arith.constant 0 : index
    %get3A_24 = arith.constant 0 : index
    %get3A_25 = vector.load %arg11[%get3A_22, %get3A_23, %get3A_24] : memref<1x1x64xf32, #tpu.memory_space<vmem>>, vector<1x1x64xf32>
    %add3A_26 = vector.broadcast %get3A_25 : vector<1x1x64xf32> to vector<64x64x64xf32>
    %add3A_27 = arith.addf %add3A_21, %add3A_26 : vector<64x64x64xf32>
    %get3A_28 = arith.constant 0 : index
    %get3A_29 = arith.constant 0 : index
    %get3A_30 = arith.constant 0 : index
    %get3A_31 = vector.load %arg18[%get3A_28, %get3A_29, %get3A_30] : memref<1x1x64xf32, #tpu.memory_space<vmem>>, vector<1x1x64xf32>
    %get3A_32 = arith.constant 0 : index
    %get3A_33 = arith.constant 0 : index
    %get3A_34 = arith.constant 0 : index
    %get3A_35 = vector.load %arg19[%get3A_32, %get3A_33, %get3A_34] : memref<1x1x64xf32, #tpu.memory_space<vmem>>, vector<1x1x64xf32>
    %reduce_sum3A = arith.constant dense<0.000000e+00> : vector<64x64xf32>
    %reduce_sum3A_36 = vector.multi_reduction <add>, %add3A_27, %reduce_sum3A [2] : vector<64x64x64xf32> to vector<64x64xf32>
    %broadcast_in_dim3A = vector.shape_cast %reduce_sum3A_36 : vector<64x64xf32> to vector<64x64x1xf32>
    %div3A = arith.constant 6.400000e+01 : f32
    %div3A_37 = vector.broadcast %div3A : f32 to vector<64x64x1xf32>
    %div3A_38 = arith.divf %broadcast_in_dim3A, %div3A_37 : vector<64x64x1xf32>
    %sub3A = vector.broadcast %div3A_38 : vector<64x64x1xf32> to vector<64x64x64xf32>
    %sub3A_39 = arith.subf %add3A_27, %sub3A : vector<64x64x64xf32>
    %integer_pow3A = arith.mulf %sub3A_39, %sub3A_39 : vector<64x64x64xf32>
    %reduce_sum3A_40 = arith.constant dense<0.000000e+00> : vector<64x64xf32>
    %reduce_sum3A_41 = vector.multi_reduction <add>, %integer_pow3A, %reduce_sum3A_40 [2] : vector<64x64x64xf32> to vector<64x64xf32>
    %broadcast_in_dim3A_42 = vector.shape_cast %reduce_sum3A_41 : vector<64x64xf32> to vector<64x64x1xf32>
    %div3A_43 = arith.constant 6.400000e+01 : f32
    %div3A_44 = vector.broadcast %div3A_43 : f32 to vector<64x64x1xf32>
    %div3A_45 = arith.divf %broadcast_in_dim3A_42, %div3A_44 : vector<64x64x1xf32>
    %sub3A_46 = vector.broadcast %div3A_38 : vector<64x64x1xf32> to vector<64x64x64xf32>
    %sub3A_47 = arith.subf %add3A_27, %sub3A_46 : vector<64x64x64xf32>
    %add3A_48 = arith.constant 9.99999974E-6 : f32
    %add3A_49 = vector.broadcast %add3A_48 : f32 to vector<64x64x1xf32>
    %add3A_50 = arith.addf %div3A_45, %add3A_49 : vector<64x64x1xf32>
    %rsqrt3A = math.rsqrt %add3A_50 : vector<64x64x1xf32>
    %mul3A = vector.broadcast %rsqrt3A : vector<64x64x1xf32> to vector<64x64x64xf32>
    %mul3A_51 = arith.mulf %sub3A_47, %mul3A : vector<64x64x64xf32>
    %mul3A_52 = vector.broadcast %get3A_31 : vector<1x1x64xf32> to vector<64x64x64xf32>
    %mul3A_53 = arith.mulf %mul3A_51, %mul3A_52 : vector<64x64x64xf32>
    %add3A_54 = vector.broadcast %get3A_35 : vector<1x1x64xf32> to vector<64x64x64xf32>
    %add3A_55 = arith.addf %mul3A_53, %add3A_54 : vector<64x64x64xf32>
    %mul3A_56 = arith.constant 0.00999999977 : f32
    %mul3A_57 = vector.broadcast %mul3A_56 : f32 to vector<64x64x64xf32>
    %mul3A_58 = arith.mulf %mul3A_57, %add3A_55 : vector<64x64x64xf32>
    %max3A = arith.maximumf %add3A_55, %mul3A_58 : vector<64x64x64xf32>
    %convert_element_type3A_59 = arith.truncf %max3A : vector<64x64x64xf32> to vector<64x64x64xbf16>
    %dot_general3A_60 = arith.constant dense<0.000000e+00> : vector<64x64x64xf32>
    %dot_general3A_61 = tpu.matmul %slice3A, %convert_element_type3A_59, %dot_general3A_60 {dimension_numbers = #tpu.dot_dimension_numbers<[1], [0], [0], [1, 2], [0, 0, 1, 1, 1, 2], [], []>, transpose_lhs_hint = false} : vector<64x64xbf16>, vector<64x64x64xbf16>, vector<64x64x64xf32> -> vector<64x64x64xf32>
    %concatenate3A_62 = tpu.concatenate %dot_general3A_61, %max3A in 2 : vector<64x64x64xf32>, vector<64x64x64xf32> -> vector<64x64x128xf32>
    %get3A_63 = arith.constant 0 : index
    %get3A_64 = arith.constant 0 : index
    %get3A_65 = vector.load %arg30[%get3A_63, %get3A_64] : memref<128x128xf32, #tpu.memory_space<vmem>>, vector<128x128xf32>
    %dot_general3A_66 = arith.constant dense<0.000000e+00> : vector<64x64x128xf32>
    %dot_general3A_67 = tpu.matmul %concatenate3A_62, %get3A_65, %dot_general3A_66 {dimension_numbers = #tpu.dot_dimension_numbers<[2], [0], [0, 1], [1], [0, 0, 0, 1, 1, 1], [], []>, transpose_lhs_hint = false} : vector<64x64x128xf32>, vector<128x128xf32>, vector<64x64x128xf32> -> vector<64x64x128xf32>
    %get3A_68 = arith.constant 0 : index
    %get3A_69 = arith.constant 0 : index
    %get3A_70 = arith.constant 0 : index
    %get3A_71 = vector.load %arg7[%get3A_68, %get3A_69, %get3A_70] : memref<1x1x128xf32, #tpu.memory_space<vmem>>, vector<1x1x128xf32>
    %add3A_72 = vector.broadcast %get3A_71 : vector<1x1x128xf32> to vector<64x64x128xf32>
    %add3A_73 = arith.addf %dot_general3A_67, %add3A_72 : vector<64x64x128xf32>
    %get3A_74 = arith.constant 0 : index
    %get3A_75 = arith.constant 0 : index
    %get3A_76 = arith.constant 0 : index
    %get3A_77 = vector.load %arg13[%get3A_74, %get3A_75, %get3A_76] : memref<1x1x128xf32, #tpu.memory_space<vmem>>, vector<1x1x128xf32>
    %add3A_78 = vector.broadcast %get3A_77 : vector<1x1x128xf32> to vector<64x64x128xf32>
    %add3A_79 = arith.addf %add3A_73, %add3A_78 : vector<64x64x128xf32>
    %get3A_80 = arith.constant 0 : index
    %get3A_81 = arith.constant 0 : index
    %get3A_82 = arith.constant 0 : index
    %get3A_83 = vector.load %arg20[%get3A_80, %get3A_81, %get3A_82] : memref<1x1x128xf32, #tpu.memory_space<vmem>>, vector<1x1x128xf32>
    %get3A_84 = arith.constant 0 : index
    %get3A_85 = arith.constant 0 : index
    %get3A_86 = arith.constant 0 : index
    %get3A_87 = vector.load %arg21[%get3A_84, %get3A_85, %get3A_86] : memref<1x1x128xf32, #tpu.memory_space<vmem>>, vector<1x1x128xf32>
    %reduce_sum3A_88 = arith.constant dense<0.000000e+00> : vector<64x64xf32>
    %reduce_sum3A_89 = vector.multi_reduction <add>, %add3A_79, %reduce_sum3A_88 [2] : vector<64x64x128xf32> to vector<64x64xf32>
    %broadcast_in_dim3A_90 = vector.shape_cast %reduce_sum3A_89 : vector<64x64xf32> to vector<64x64x1xf32>
    %div3A_91 = arith.constant 1.280000e+02 : f32
    %div3A_92 = vector.broadcast %div3A_91 : f32 to vector<64x64x1xf32>
    %div3A_93 = arith.divf %broadcast_in_dim3A_90, %div3A_92 : vector<64x64x1xf32>
    %sub3A_94 = vector.broadcast %div3A_93 : vector<64x64x1xf32> to vector<64x64x128xf32>
    %sub3A_95 = arith.subf %add3A_79, %sub3A_94 : vector<64x64x128xf32>
    %integer_pow3A_96 = arith.mulf %sub3A_95, %sub3A_95 : vector<64x64x128xf32>
    %reduce_sum3A_97 = arith.constant dense<0.000000e+00> : vector<64x64xf32>
    %reduce_sum3A_98 = vector.multi_reduction <add>, %integer_pow3A_96, %reduce_sum3A_97 [2] : vector<64x64x128xf32> to vector<64x64xf32>
    %broadcast_in_dim3A_99 = vector.shape_cast %reduce_sum3A_98 : vector<64x64xf32> to vector<64x64x1xf32>
    %div3A_100 = arith.constant 1.280000e+02 : f32
    %div3A_101 = vector.broadcast %div3A_100 : f32 to vector<64x64x1xf32>
    %div3A_102 = arith.divf %broadcast_in_dim3A_99, %div3A_101 : vector<64x64x1xf32>
    %sub3A_103 = vector.broadcast %div3A_93 : vector<64x64x1xf32> to vector<64x64x128xf32>
    %sub3A_104 = arith.subf %add3A_79, %sub3A_103 : vector<64x64x128xf32>
    %add3A_105 = arith.constant 9.99999974E-6 : f32
    %add3A_106 = vector.broadcast %add3A_105 : f32 to vector<64x64x1xf32>
    %add3A_107 = arith.addf %div3A_102, %add3A_106 : vector<64x64x1xf32>
    %rsqrt3A_108 = math.rsqrt %add3A_107 : vector<64x64x1xf32>
    %mul3A_109 = vector.broadcast %rsqrt3A_108 : vector<64x64x1xf32> to vector<64x64x128xf32>
    %mul3A_110 = arith.mulf %sub3A_104, %mul3A_109 : vector<64x64x128xf32>
    %mul3A_111 = vector.broadcast %get3A_83 : vector<1x1x128xf32> to vector<64x64x128xf32>
    %mul3A_112 = arith.mulf %mul3A_110, %mul3A_111 : vector<64x64x128xf32>
    %add3A_113 = vector.broadcast %get3A_87 : vector<1x1x128xf32> to vector<64x64x128xf32>
    %add3A_114 = arith.addf %mul3A_112, %add3A_113 : vector<64x64x128xf32>
    %mul3A_115 = arith.constant 0.00999999977 : f32
    %mul3A_116 = vector.broadcast %mul3A_115 : f32 to vector<64x64x128xf32>
    %mul3A_117 = arith.mulf %mul3A_116, %add3A_114 : vector<64x64x128xf32>
    %max3A_118 = arith.maximumf %add3A_114, %mul3A_117 : vector<64x64x128xf32>
    %convert_element_type3A_119 = arith.truncf %max3A_118 : vector<64x64x128xf32> to vector<64x64x128xbf16>
    %dot_general3A_120 = arith.constant dense<0.000000e+00> : vector<64x64x128xf32>
    %dot_general3A_121 = tpu.matmul %slice3A, %convert_element_type3A_119, %dot_general3A_120 {dimension_numbers = #tpu.dot_dimension_numbers<[1], [0], [0], [1, 2], [0, 0, 1, 1, 1, 2], [], []>, transpose_lhs_hint = false} : vector<64x64xbf16>, vector<64x64x128xbf16>, vector<64x64x128xf32> -> vector<64x64x128xf32>
    %concatenate3A_122 = tpu.concatenate %dot_general3A_121, %max3A_118 in 2 : vector<64x64x128xf32>, vector<64x64x128xf32> -> vector<64x64x256xf32>
    %get3A_123 = arith.constant 0 : index
    %get3A_124 = arith.constant 0 : index
    %get3A_125 = vector.load %arg31[%get3A_123, %get3A_124] : memref<256x256xf32, #tpu.memory_space<vmem>>, vector<256x256xf32>
    %dot_general3A_126 = arith.constant dense<0.000000e+00> : vector<64x64x256xf32>
    %dot_general3A_127 = tpu.matmul %concatenate3A_122, %get3A_125, %dot_general3A_126 {dimension_numbers = #tpu.dot_dimension_numbers<[2], [0], [0, 1], [1], [0, 0, 0, 1, 1, 1], [], []>, transpose_lhs_hint = false} : vector<64x64x256xf32>, vector<256x256xf32>, vector<64x64x256xf32> -> vector<64x64x256xf32>
    %get3A_128 = arith.constant 0 : index
    %get3A_129 = arith.constant 0 : index
    %get3A_130 = arith.constant 0 : index
    %get3A_131 = vector.load %arg9[%get3A_128, %get3A_129, %get3A_130] : memref<1x1x256xf32, #tpu.memory_space<vmem>>, vector<1x1x256xf32>
    %add3A_132 = vector.broadcast %get3A_131 : vector<1x1x256xf32> to vector<64x64x256xf32>
    %add3A_133 = arith.addf %dot_general3A_127, %add3A_132 : vector<64x64x256xf32>
    %get3A_134 = arith.constant 0 : index
    %get3A_135 = arith.constant 0 : index
    %get3A_136 = arith.constant 0 : index
    %get3A_137 = vector.load %arg15[%get3A_134, %get3A_135, %get3A_136] : memref<1x1x256xf32, #tpu.memory_space<vmem>>, vector<1x1x256xf32>
    %add3A_138 = vector.broadcast %get3A_137 : vector<1x1x256xf32> to vector<64x64x256xf32>
    %add3A_139 = arith.addf %add3A_133, %add3A_138 : vector<64x64x256xf32>
    %get3A_140 = arith.constant 0 : index
    %get3A_141 = arith.constant 0 : index
    %get3A_142 = arith.constant 0 : index
    %get3A_143 = vector.load %arg22[%get3A_140, %get3A_141, %get3A_142] : memref<1x1x256xf32, #tpu.memory_space<vmem>>, vector<1x1x256xf32>
    %get3A_144 = arith.constant 0 : index
    %get3A_145 = arith.constant 0 : index
    %get3A_146 = arith.constant 0 : index
    %get3A_147 = vector.load %arg23[%get3A_144, %get3A_145, %get3A_146] : memref<1x1x256xf32, #tpu.memory_space<vmem>>, vector<1x1x256xf32>
    %reduce_sum3A_148 = arith.constant dense<0.000000e+00> : vector<64x64xf32>
    %reduce_sum3A_149 = vector.multi_reduction <add>, %add3A_139, %reduce_sum3A_148 [2] : vector<64x64x256xf32> to vector<64x64xf32>
    %broadcast_in_dim3A_150 = vector.shape_cast %reduce_sum3A_149 : vector<64x64xf32> to vector<64x64x1xf32>
    %div3A_151 = arith.constant 2.560000e+02 : f32
    %div3A_152 = vector.broadcast %div3A_151 : f32 to vector<64x64x1xf32>
    %div3A_153 = arith.divf %broadcast_in_dim3A_150, %div3A_152 : vector<64x64x1xf32>
    %sub3A_154 = vector.broadcast %div3A_153 : vector<64x64x1xf32> to vector<64x64x256xf32>
    %sub3A_155 = arith.subf %add3A_139, %sub3A_154 : vector<64x64x256xf32>
    %integer_pow3A_156 = arith.mulf %sub3A_155, %sub3A_155 : vector<64x64x256xf32>
    %reduce_sum3A_157 = arith.constant dense<0.000000e+00> : vector<64x64xf32>
    %reduce_sum3A_158 = vector.multi_reduction <add>, %integer_pow3A_156, %reduce_sum3A_157 [2] : vector<64x64x256xf32> to vector<64x64xf32>
    %broadcast_in_dim3A_159 = vector.shape_cast %reduce_sum3A_158 : vector<64x64xf32> to vector<64x64x1xf32>
    %div3A_160 = arith.constant 2.560000e+02 : f32
    %div3A_161 = vector.broadcast %div3A_160 : f32 to vector<64x64x1xf32>
    %div3A_162 = arith.divf %broadcast_in_dim3A_159, %div3A_161 : vector<64x64x1xf32>
    %sub3A_163 = vector.broadcast %div3A_153 : vector<64x64x1xf32> to vector<64x64x256xf32>
    %sub3A_164 = arith.subf %add3A_139, %sub3A_163 : vector<64x64x256xf32>
    %add3A_165 = arith.constant 9.99999974E-6 : f32
    %add3A_166 = vector.broadcast %add3A_165 : f32 to vector<64x64x1xf32>
    %add3A_167 = arith.addf %div3A_162, %add3A_166 : vector<64x64x1xf32>
    %rsqrt3A_168 = math.rsqrt %add3A_167 : vector<64x64x1xf32>
    %mul3A_169 = vector.broadcast %rsqrt3A_168 : vector<64x64x1xf32> to vector<64x64x256xf32>
    %mul3A_170 = arith.mulf %sub3A_164, %mul3A_169 : vector<64x64x256xf32>
    %mul3A_171 = vector.broadcast %get3A_143 : vector<1x1x256xf32> to vector<64x64x256xf32>
    %mul3A_172 = arith.mulf %mul3A_170, %mul3A_171 : vector<64x64x256xf32>
    %add3A_173 = vector.broadcast %get3A_147 : vector<1x1x256xf32> to vector<64x64x256xf32>
    %add3A_174 = arith.addf %mul3A_172, %add3A_173 : vector<64x64x256xf32>
    %mul3A_175 = arith.constant 0.00999999977 : f32
    %mul3A_176 = vector.broadcast %mul3A_175 : f32 to vector<64x64x256xf32>
    %mul3A_177 = arith.mulf %mul3A_176, %add3A_174 : vector<64x64x256xf32>
    %max3A_178 = arith.maximumf %add3A_174, %mul3A_177 : vector<64x64x256xf32>
    %get3A_179 = arith.constant 0 : index
    %get3A_180 = arith.constant 0 : index
    %get3A_181 = vector.load %arg16[%get3A_179, %get3A_180] : memref<272x4xf32, #tpu.memory_space<vmem>>, vector<256x4xf32>
    %dot_general3A_182 = arith.constant dense<0.000000e+00> : vector<64x64x4xf32>
    %dot_general3A_183 = tpu.matmul %max3A_178, %get3A_181, %dot_general3A_182 {dimension_numbers = #tpu.dot_dimension_numbers<[2], [0], [0, 1], [1], [0, 0, 0, 1, 1, 1], [], []>, transpose_lhs_hint = false} : vector<64x64x256xf32>, vector<256x4xf32>, vector<64x64x4xf32> -> vector<64x64x4xf32>
    %get3A_184 = arith.constant 256 : index
    %get3A_185 = arith.constant 0 : index
    %get3A_186 = vector.load %arg16[%get3A_184, %get3A_185] : memref<272x4xf32, #tpu.memory_space<vmem>>, vector<16x4xf32>
    %dot_general3A_187 = arith.constant dense<0.000000e+00> : vector<64x64x4xf32>
    %dot_general3A_188 = tpu.matmul %slice3A_10, %get3A_186, %dot_general3A_187 {dimension_numbers = #tpu.dot_dimension_numbers<[2], [0], [0, 1], [1], [0, 0, 0, 1, 1, 1], [], []>, transpose_lhs_hint = false} : vector<64x64x16xf32>, vector<16x4xf32>, vector<64x64x4xf32> -> vector<64x64x4xf32>
    %add3A_189 = arith.addf %dot_general3A_183, %dot_general3A_188 : vector<64x64x4xf32>
    %get3A_190 = arith.constant 0 : index
    %get3A_191 = arith.constant 0 : index
    %get3A_192 = arith.constant 0 : index
    %get3A_193 = vector.load %arg17[%get3A_190, %get3A_191, %get3A_192] : memref<1x1x4xf32, #tpu.memory_space<vmem>>, vector<1x1x4xf32>
    %add3A_194 = vector.broadcast %get3A_193 : vector<1x1x4xf32> to vector<64x64x4xf32>
    %add3A_195 = arith.addf %add3A_189, %add3A_194 : vector<64x64x4xf32>
    %reduce_sum3A_196 = arith.constant dense<0.000000e+00> : vector<64x64xf32>
    %reduce_sum3A_197 = vector.multi_reduction <add>, %add3A_195, %reduce_sum3A_196 [2] : vector<64x64x4xf32> to vector<64x64xf32>
    %broadcast_in_dim3A_198 = vector.shape_cast %reduce_sum3A_197 : vector<64x64xf32> to vector<64x64x1xf32>
    %div3A_199 = arith.constant 4.000000e+00 : f32
    %div3A_200 = vector.broadcast %div3A_199 : f32 to vector<64x64x1xf32>
    %div3A_201 = arith.divf %broadcast_in_dim3A_198, %div3A_200 : vector<64x64x1xf32>
    %sub3A_202 = vector.broadcast %div3A_201 : vector<64x64x1xf32> to vector<64x64x4xf32>
    %sub3A_203 = arith.subf %add3A_195, %sub3A_202 : vector<64x64x4xf32>
    %integer_pow3A_204 = arith.mulf %sub3A_203, %sub3A_203 : vector<64x64x4xf32>
    %reduce_sum3A_205 = arith.constant dense<0.000000e+00> : vector<64x64xf32>
    %reduce_sum3A_206 = vector.multi_reduction <add>, %integer_pow3A_204, %reduce_sum3A_205 [2] : vector<64x64x4xf32> to vector<64x64xf32>
    %broadcast_in_dim3A_207 = vector.shape_cast %reduce_sum3A_206 : vector<64x64xf32> to vector<64x64x1xf32>
    %div3A_208 = arith.constant 4.000000e+00 : f32
    %div3A_209 = vector.broadcast %div3A_208 : f32 to vector<64x64x1xf32>
    %div3A_210 = arith.divf %broadcast_in_dim3A_207, %div3A_209 : vector<64x64x1xf32>
    %sub3A_211 = vector.broadcast %div3A_201 : vector<64x64x1xf32> to vector<64x64x4xf32>
    %sub3A_212 = arith.subf %add3A_195, %sub3A_211 : vector<64x64x4xf32>
    %add3A_213 = arith.constant 9.99999974E-6 : f32
    %add3A_214 = vector.broadcast %add3A_213 : f32 to vector<64x64x1xf32>
    %add3A_215 = arith.addf %div3A_210, %add3A_214 : vector<64x64x1xf32>
    %rsqrt3A_216 = math.rsqrt %add3A_215 : vector<64x64x1xf32>
    %mul3A_217 = vector.broadcast %rsqrt3A_216 : vector<64x64x1xf32> to vector<64x64x4xf32>
    %mul3A_218 = arith.mulf %sub3A_212, %mul3A_217 : vector<64x64x4xf32>
    %get3A_219 = arith.constant 0 : index
    %get3A_220 = arith.constant 0 : index
    %get3A_221 = arith.constant 0 : index
    %get3A_222 = vector.load %arg24[%get3A_219, %get3A_220, %get3A_221] : memref<1x1x4xf32, #tpu.memory_space<vmem>>, vector<1x1x4xf32>
    %mul3A_223 = vector.broadcast %get3A_222 : vector<1x1x4xf32> to vector<64x64x4xf32>
    %mul3A_224 = arith.mulf %mul3A_218, %mul3A_223 : vector<64x64x4xf32>
    %get3A_225 = arith.constant 0 : index
    %get3A_226 = arith.constant 0 : index
    %get3A_227 = arith.constant 0 : index
    %get3A_228 = vector.load %arg25[%get3A_225, %get3A_226, %get3A_227] : memref<1x1x4xf32, #tpu.memory_space<vmem>>, vector<1x1x4xf32>
    %add3A_229 = vector.broadcast %get3A_228 : vector<1x1x4xf32> to vector<64x64x4xf32>
    %add3A_230 = arith.addf %mul3A_224, %add3A_229 : vector<64x64x4xf32>
    %tanh3A = math.tanh %add3A_230 : vector<64x64x4xf32>
    %get3A_231 = arith.constant 0 : index
    %get3A_232 = arith.constant 0 : index
    %get3A_233 = arith.constant 0 : index
    %get3A_234 = vector.load %arg26[%get3A_231, %get3A_232, %get3A_233] : memref<1x1x1xf32, #tpu.memory_space<vmem>>, vector<1x1x1xf32>
    %mul3A_235 = vector.broadcast %get3A_234 : vector<1x1x1xf32> to vector<64x64x4xf32>
    %mul3A_236 = arith.mulf %tanh3A, %mul3A_235 : vector<64x64x4xf32>
    %swap3A = arith.constant 0 : index
    %swap3A_237 = arith.constant 0 : index
    %swap3A_238 = arith.constant 0 : index
    %swap3A_239 = vector.load %arg27[%swap3A, %swap3A_237, %swap3A_238] : memref<64x64x4xf32, #tpu.memory_space<vmem>>, vector<64x64x4xf32>
    tpu.vector_store %arg27[%swap3A, %swap3A_237, %swap3A_238], %mul3A_236 {strides = array<i32>} : memref<64x64x4xf32, #tpu.memory_space<vmem>>, vector<64x64x4xf32>,
    return
  }
  func.func @transform_0(%arg0: i32) -> (i32, i32, i32) {
    %c0_i32 = arith.constant 0 : i32
    %c0_i32_0 = arith.constant 0 : i32
    %c0_i32_1 = arith.constant 0 : i32
    return %arg0, %c0_i32, %c0_i32_0 : i32, i32, i32
  }
  func.func @transform_1(%arg0: i32) -> (i32, i32) {
    %c0_i32 = arith.constant 0 : i32
    %c0_i32_0 = arith.constant 0 : i32
    %c0_i32_1 = arith.constant 0 : i32
    return %c0_i32, %c0_i32_0 : i32, i32
  }
  func.func @transform_2(%arg0: i32) -> (i32, i32) {
    %c0_i32 = arith.constant 0 : i32
    %c0_i32_0 = arith.constant 0 : i32
    %c0_i32_1 = arith.constant 0 : i32
    return %c0_i32, %c0_i32_0 : i32, i32
  }
  func.func @transform_3(%arg0: i32) -> (i32, i32) {
    %c0_i32 = arith.constant 0 : i32
    %c0_i32_0 = arith.constant 0 : i32
    %c0_i32_1 = arith.constant 0 : i32
    return %c0_i32, %c0_i32_0 : i32, i32
  }
  func.func @transform_4(%arg0: i32) -> (i32, i32, i32) {
    %c0_i32 = arith.constant 0 : i32
    %c0_i32_0 = arith.constant 0 : i32
    %c0_i32_1 = arith.constant 0 : i32
    %c0_i32_2 = arith.constant 0 : i32
    return %c0_i32, %c0_i32_0, %c0_i32_1 : i32, i32, i32
  }
  func.func @transform_5(%arg0: i32) -> (i32, i32) {
    %c0_i32 = arith.constant 0 : i32
    %c0_i32_0 = arith.constant 0 : i32
    %c0_i32_1 = arith.constant 0 : i32
    return %c0_i32, %c0_i32_0 : i32, i32
  }
  func.func @transform_6(%arg0: i32) -> (i32, i32, i32) {
    %c0_i32 = arith.constant 0 : i32
    %c0_i32_0 = arith.constant 0 : i32
    %c0_i32_1 = arith.constant 0 : i32
    %c0_i32_2 = arith.constant 0 : i32
    return %c0_i32, %c0_i32_0, %c0_i32_1 : i32, i32, i32
  }
  func.func @transform_7(%arg0: i32) -> (i32, i32) {
    %c0_i32 = arith.constant 0 : i32
    %c0_i32_0 = arith.constant 0 : i32
    %c0_i32_1 = arith.constant 0 : i32
    return %c0_i32, %c0_i32_0 : i32, i32
  }
  func.func @transform_8(%arg0: i32) -> (i32, i32, i32) {
    %c0_i32 = arith.constant 0 : i32
    %c0_i32_0 = arith.constant 0 : i32
    %c0_i32_1 = arith.constant 0 : i32
    %c0_i32_2 = arith.constant 0 : i32
    return %c0_i32, %c0_i32_0, %c0_i32_1 : i32, i32, i32
  }
  func.func @transform_9(%arg0: i32) -> (i32, i32) {
    %c0_i32 = arith.constant 0 : i32
    %c0_i32_0 = arith.constant 0 : i32
    %c0_i32_1 = arith.constant 0 : i32
    return %c0_i32, %c0_i32_0 : i32, i32
  }
  func.func @transform_10(%arg0: i32) -> (i32, i32, i32) {
    %c0_i32 = arith.constant 0 : i32
    %c0_i32_0 = arith.constant 0 : i32
    %c0_i32_1 = arith.constant 0 : i32
    %c0_i32_2 = arith.constant 0 : i32
    return %c0_i32, %c0_i32_0, %c0_i32_1 : i32, i32, i32
  }
  func.func @transform_11(%arg0: i32) -> (i32, i32) {
    %c0_i32 = arith.constant 0 : i32
    %c0_i32_0 = arith.constant 0 : i32
    %c0_i32_1 = arith.constant 0 : i32
    return %c0_i32, %c0_i32_0 : i32, i32
  }
  func.func @transform_12(%arg0: i32) -> (i32, i32, i32) {
    %c0_i32 = arith.constant 0 : i32
    %c0_i32_0 = arith.constant 0 : i32
    %c0_i32_1 = arith.constant 0 : i32
    %c0_i32_2 = arith.constant 0 : i32
    return %c0_i32, %c0_i32_0, %c0_i32_1 : i32, i32, i32
  }
  func.func @transform_13(%arg0: i32) -> (i32, i32) {
    %c0_i32 = arith.constant 0 : i32
    %c0_i32_0 = arith.constant 0 : i32
    %c0_i32_1 = arith.constant 0 : i32
    return %c0_i32, %c0_i32_0 : i32, i32
  }
  func.func @transform_14(%arg0: i32) -> (i32, i32, i32) {
    %c0_i32 = arith.constant 0 : i32
    %c0_i32_0 = arith.constant 0 : i32
    %c0_i32_1 = arith.constant 0 : i32
    %c0_i32_2 = arith.constant 0 : i32
    return %c0_i32, %c0_i32_0, %c0_i32_1 : i32, i32, i32
  }
  func.func @transform_15(%arg0: i32) -> (i32, i32) {
    %c0_i32 = arith.constant 0 : i32
    %c0_i32_0 = arith.constant 0 : i32
    %c0_i32_1 = arith.constant 0 : i32
    return %c0_i32, %c0_i32_0 : i32, i32
  }
  func.func @transform_16(%arg0: i32) -> (i32, i32, i32) {
    %c0_i32 = arith.constant 0 : i32
    %c0_i32_0 = arith.constant 0 : i32
    %c0_i32_1 = arith.constant 0 : i32
    %c0_i32_2 = arith.constant 0 : i32
    return %c0_i32, %c0_i32_0, %c0_i32_1 : i32, i32, i32
  }
  func.func @transform_17(%arg0: i32) -> (i32, i32, i32) {
    %c0_i32 = arith.constant 0 : i32
    %c0_i32_0 = arith.constant 0 : i32
    %c0_i32_1 = arith.constant 0 : i32
    %c0_i32_2 = arith.constant 0 : i32
    return %c0_i32, %c0_i32_0, %c0_i32_1 : i32, i32, i32
  }
  func.func @transform_18(%arg0: i32) -> (i32, i32, i32) {
    %c0_i32 = arith.constant 0 : i32
    %c0_i32_0 = arith.constant 0 : i32
    %c0_i32_1 = arith.constant 0 : i32
    %c0_i32_2 = arith.constant 0 : i32
    return %c0_i32, %c0_i32_0, %c0_i32_1 : i32, i32, i32
  }
  func.func @transform_19(%arg0: i32) -> (i32, i32, i32) {
    %c0_i32 = arith.constant 0 : i32
    %c0_i32_0 = arith.constant 0 : i32
    %c0_i32_1 = arith.constant 0 : i32
    %c0_i32_2 = arith.constant 0 : i32
    return %c0_i32, %c0_i32_0, %c0_i32_1 : i32, i32, i32
  }
  func.func @transform_20(%arg0: i32) -> (i32, i32, i32) {
    %c0_i32 = arith.constant 0 : i32
    %c0_i32_0 = arith.constant 0 : i32
    %c0_i32_1 = arith.constant 0 : i32
    %c0_i32_2 = arith.constant 0 : i32
    return %c0_i32, %c0_i32_0, %c0_i32_1 : i32, i32, i32
  }
  func.func @transform_21(%arg0: i32) -> (i32, i32, i32) {
    %c0_i32 = arith.constant 0 : i32
    %c0_i32_0 = arith.constant 0 : i32
    %c0_i32_1 = arith.constant 0 : i32
    %c0_i32_2 = arith.constant 0 : i32
    return %c0_i32, %c0_i32_0, %c0_i32_1 : i32, i32, i32
  }
  func.func @transform_22(%arg0: i32) -> (i32, i32, i32) {
    %c0_i32 = arith.constant 0 : i32
    %c0_i32_0 = arith.constant 0 : i32
    %c0_i32_1 = arith.constant 0 : i32
    %c0_i32_2 = arith.constant 0 : i32
    return %c0_i32, %c0_i32_0, %c0_i32_1 : i32, i32, i32
  }
  func.func @transform_23(%arg0: i32) -> (i32, i32, i32) {
    %c0_i32 = arith.constant 0 : i32
    %c0_i32_0 = arith.constant 0 : i32
    %c0_i32_1 = arith.constant 0 : i32
    %c0_i32_2 = arith.constant 0 : i32
    return %c0_i32, %c0_i32_0, %c0_i32_1 : i32, i32, i32
  }
  func.func @transform_24(%arg0: i32) -> (i32, i32, i32) {
    %c0_i32 = arith.constant 0 : i32
    %c0_i32_0 = arith.constant 0 : i32
    %c0_i32_1 = arith.constant 0 : i32
    %c0_i32_2 = arith.constant 0 : i32
    return %c0_i32, %c0_i32_0, %c0_i32_1 : i32, i32, i32
  }
  func.func @transform_25(%arg0: i32) -> (i32, i32, i32) {
    %c0_i32 = arith.constant 0 : i32
    %c0_i32_0 = arith.constant 0 : i32
    %c0_i32_1 = arith.constant 0 : i32
    %c0_i32_2 = arith.constant 0 : i32
    return %c0_i32, %c0_i32_0, %c0_i32_1 : i32, i32, i32
  }
  func.func @transform_26(%arg0: i32) -> (i32, i32, i32) {
    %c0_i32 = arith.constant 0 : i32
    %c0_i32_0 = arith.constant 0 : i32
    %c0_i32_1 = arith.constant 0 : i32
    return %c0_i32, %arg0, %c0_i32_0 : i32, i32, i32
  }
}

</mosaic_0001>

<sc_bundles>
// kernel: kernel.4.cloned.1.call-start
scs
__scs_entry_jumppad:
0x0: {  	(pc) =	sbr.rel $0x88, $3  }
0x1: {  	(tag) =	ssettag $0x0;
	lr =	simm.s32 $0x1  }
0x2: {  	[smem:$0x3F88] =	sst lr;
	_ =	strace $0xD0000000  }
0x3: {  	_ = 	snop  }
0x4: {  	_ = 	snop  }
0x5: {  	_ = 	snop  }
0x6: {  	_ = 	snop  }
0x7: {  	_ = 	snop  }
__scs_overlays_trampoline_lowered:
0x8: {  	[smem:$0x3F97] =	sst s0  }
0x9: {  	[smem:$0x3F98] =	sst s1  }
0xa: {  	[smem:$0x3F99] =	sst s2  }
0xb: {  	[smem:$0x3F9A] =	sst s3  }
0xc: {  	[smem:$0x3F9B] =	sst s4  }
0xd: {  	[smem:$0x3F9C] =	sst s5  }
0xe: {  	[smem:$0x3F9D] =	sst s6  }
0xf: {  	[smem:$0x3F9E] =	sst s7  }
0x10: {  	[smem:$0x3F9F] =	sst s8  }
0x11: {  	[smem:$0x3FA0] =	sst s9;
	s0 =	simm.s32 @!p0 $0x0  }
0x12: {  	s1 =	sld [smem:$0x3F86];
	s0 =	simm.s32 @p0 $0x1  }
0x13: {  	[smem:$0x3FA1] =	sst s0;
	s0 =	simm.s32 @!p1 $0x0  }
0x14: {  	s2 =	sld [smem:$0x3F85];
	s0 =	simm.s32 @p1 $0x1  }
0x15: {  	[smem:$0x3FA2] =	sst s0;
	s0 =	simm.s32 @!p2 $0x0  }
0x16: {  	s3 =	sld [smem:$0x3FDB];
	s0 =	simm.s32 @p2 $0x1  }
0x17: {  	s4 =	simm.s32 $0x1BF5;
	[smem:$0x3FA4] =	sst s0  }
0x18: {  	s0 =	sld [smem:$0x3F87];
	_ =	swait.ge [sflag:s4], $0x0  }
0x19: {  	s7 =	sld [smem:$0x3F88]  }
0x1a: {  	s8 =	sadd.s32 $0xFFFFE003, lr  }
0x1b: {  	s9 =	sadd.s32 $0xFFFFFEF7, lr;
	s5 =	simm.s32 $0xFFFFFFFF;
	p2 =	slt.u32 s8, $0xFFFFF086  }
0x1c: {  	p1 =	slt.u32 s9, $0xF7A;
	s5 =	simm.s32 @!p2 $0x0  }
0x1d: {  	s5 =	simm.s32 @p1 $0x1;
	p0 =	seq.s32 s7, s2  }
0x1e: {  	s7 =	smul.u32 @!p0 $0xF7A, s2;
	p2 =	seq.s32 @!p0 s5, $0x0  }
0x1f: {  	s9 =	smul.u32 $0xF7A, s1;
	s8 =	simm.s32 @!p0 $0x1BF5;
	p2 =	por !p2, p0  }
0x20: {  	[sflag:s8] =	ssyncset.s32 @!p0 $0xFFFFF086;
	s6 =	sadd.s32 @!p0 s3, s7;
	s7 =	simm.s32 @!p0 $0x108  }
0x21: {  	s3 =	sadd.s32 s3, s9;
	s6 =	sadd.s32 @!p0 $0x88, s6;
	s7 =	simm.s32 @p2 $0x1082  }
0x22: {  	[simem:s7], [sflag:s8] =	dma.local @!p0 [hbm:s6], $0xF7A  }
0x23: {  	s9 =	sor.u32 $0xD0000000, s2;
	s6 =	simm.s32 $0x108;
	_ =	swait.ge @!p0 [sflag:s8], $0x0  }
0x24: {  	s3 =	sadd.s32 $0x88, s3;
	s6 =	simm.s32 @!p1 $0x1082;
	[sflag:s4] =	ssyncset.s32 $0xFFFFF086  }
0x25: {  	[simem:s6], [sflag:s4] =	dma.local [hbm:s3], $0xF7A  }
0x26: {  	[smem:$0x3F88] =	sst s1;
	(tag) =	ssettag s2;
	_ =	strace s9  }
0x27: {  	s1 =	sld [smem:$0x3F98]  }
0x28: {  	s2 =	sld [smem:$0x3F99]  }
0x29: {  	s4 =	sld [smem:$0x3F9B]  }
0x2a: {  	p0 =	seq.s32 s5, $0x0;
	s5 =	sld [smem:$0x3F9C]  }
0x2b: {  	s6 =	sld [smem:$0x3F9D]  }
0x2c: {  	s7 =	sld [smem:$0x3F9E]  }
0x2d: {  	s3 =	simm.s32 $0x108;
	s8 =	sld [smem:$0x3F9F]  }
0x2e: {  	s3 =	simm.s32 @!p0 $0x1082;
	s9 =	sld [smem:$0x3FA0]  }
0x2f: {  	lr =	sadd.s32 s0, s3;
	s0 =	sld [smem:$0x3F97]  }
0x30: {  	s3 =	sld [smem:$0x3F9A]  }
0x31: {  	[smem:$0x3FA3] =	sst s10  }
0x32: {  	s10 =	sld [smem:$0x3FA1];
	_ =	sdelay $0x3  }
0x33: {  	p0 =	seq.s32 s10, $0x1;
	s10 =	sld [smem:$0x3FA3];
	_ =	sdelay $0x3  }
0x34: {  	[smem:$0x3FA3] =	sst s10  }
0x35: {  	s10 =	sld [smem:$0x3FA2];
	_ =	sdelay $0x3  }
0x36: {  	p1 =	seq.s32 s10, $0x1;
	s10 =	sld [smem:$0x3FA3];
	_ =	sdelay $0x3  }
0x37: {  	[smem:$0x3FA3] =	sst s10  }
0x38: {  	s10 =	sld [smem:$0x3FA4]  }
0x39: {  	_ = 	snop;
	(pc) =	sbr.ind lr, $3  }
0x3a: {  	_ = 	snop  }
0x3b: {  	_ = 	snop  }
0x3c: {  	p2 =	seq.s32 s10, $0x1;
	s10 =	sld [smem:$0x3FA3]  }
0x3d: {  	_ =	shalt  }
0x3e: {  	_ =	shalt  }
0x3f: {  	_ =	shalt  }
0x40: {  	_ =	shalt  }
0x41: {  	_ =	shalt  }
0x42: {  	_ =	shalt  }
0x43: {  	_ =	shalt  }
0x44: {  	_ =	shalt  }
0x45: {  	_ =	shalt  }
0x46: {  	_ =	shalt  }
0x47: {  	_ =	shalt  }
0x48: {  	_ =	shalt  }
0x49: {  	_ =	shalt  }
0x4a: {  	_ =	shalt  }
0x4b: {  	_ =	shalt  }
0x4c: {  	_ =	shalt  }
0x4d: {  	_ =	shalt  }
0x4e: {  	_ =	shalt  }
0x4f: {  	_ =	shalt  }
0x50: {  	_ =	shalt  }
0x51: {  	_ =	shalt  }
0x52: {  	_ =	shalt  }
0x53: {  	_ =	shalt  }
0x54: {  	_ =	shalt  }
0x55: {  	_ =	shalt  }
0x56: {  	_ =	shalt  }
0x57: {  	_ =	shalt  }
0x58: {  	_ =	shalt  }
0x59: {  	_ =	shalt  }
0x5a: {  	_ =	shalt  }
0x5b: {  	_ =	shalt  }
0x5c: {  	_ =	shalt  }
0x5d: {  	_ =	shalt  }
0x5e: {  	_ =	shalt  }
0x5f: {  	_ =	shalt  }
0x60: {  	_ =	shalt  }
0x61: {  	_ =	shalt  }
0x62: {  	_ =	shalt  }
0x63: {  	_ =	shalt  }
0x64: {  	_ =	shalt  }
0x65: {  	_ =	shalt  }
0x66: {  	_ =	shalt  }
0x67: {  	_ =	shalt  }
0x68: {  	_ =	shalt  }
0x69: {  	_ =	shalt  }
0x6a: {  	_ =	shalt  }
0x6b: {  	_ =	shalt  }
0x6c: {  	_ =	shalt  }
0x6d: {  	_ =	shalt  }
0x6e: {  	_ =	shalt  }
0x6f: {  	_ =	shalt  }
0x70: {  	_ =	shalt  }
0x71: {  	_ =	shalt  }
0x72: {  	_ =	shalt  }
0x73: {  	_ =	shalt  }
0x74: {  	_ =	shalt  }
0x75: {  	_ =	shalt  }
0x76: {  	_ =	shalt  }
0x77: {  	_ =	shalt  }
0x78: {  	_ =	shalt  }
0x79: {  	_ =	shalt  }
0x7a: {  	_ =	shalt  }
0x7b: {  	_ =	shalt  }
0x7c: {  	_ =	shalt  }
0x7d: {  	_ =	shalt  }
0x7e: {  	_ =	shalt  }
0x7f: {  	_ =	shalt  }
0x80: {  	_ =	shalt  }
0x81: {  	_ =	shalt  }
0x82: {  	_ =	shalt  }
0x83: {  	_ =	shalt  }
0x84: {  	_ =	shalt  }
0x85: {  	_ =	shalt  }
0x86: {  	_ =	shalt  }
0x87: {  	_ =	shalt  }
.Lfunc_end0:
.L_simem_size_0:
called_computation_lowered:
.L_overlay_start_0:
0x88: {  	s2 =	sld [smem:$0x3FD9]  }
0x89: {  	s3 =	sld [smem:$0x3FFE];
	_ =	sdelay $0x1  }
0x8a: {  	s1 =	srdreg.scid  }
0x8b: {  	s0 =	sand.u32 $0x1, s1  }
0x8c: {  	s17 =	sshll.u32 s0, $0xA;
	s2 =	sadd.s32 s3, s2  }
0x8d: {  	s2 =	sadd.s32 s2, s17  }
0x8e: {  	[smem:$0x3FAF] =	sst s2  }
0x8f: {  	_ = 	snop  }
0x90: {  	s2 =	sld [smem:$0x3FC8]  }
0x91: {  	s18 =	sld [smem:$0x3FD0];
	(tm) =	ssettm $0x1  }
0x92: {  	s4 =	sld [smem:$0x3FFB];
	_ =	sdelay $0x3  }
0x93: {  	_ =	strace s4  }
0x94: {  	s4 =	sld [smem:$0x3FFC];
	_ =	sdelay $0x3  }
0x95: {  	_ =	strace s4  }
0x96: {  	s4 =	sld [smem:$0x3FFD];
	_ =	sdelay $0x3  }
0x97: {  	_ =	strace s4  }
0x98: {  	_ =	strace $0x8FFFFFFF  }
0x99: {  	s19 =	sld [smem:$0x3FDB];
	_ =	sdelay $0x1  }
0x9a: {  	s5 =	simm.s32 $_scs_section_size  }
0x9b: {  	s6 =	simm.s32 $_size__tile_overlayer_lowered;
	s7 =	simm.s32 $_tile_overlayer_lowered  }
0x9c: {  	s22 =	simm.s32 $0x1BFF;
	s21 =	sshll.u32 s7, $0x1;
	s4 =	sadd.s32 s5, s19  }
0x9d: {  	s8 =	simm.s32 $0x0;
	s20 =	sshll.u32 s6, $0x1;
	s6 =	sadd.s32 s21, s4  }
0x9e: {  	[timem:s8], [sflag:s22] =	dma.local [hbm:s6], s20  }
0x9f: {  	_ =	swait.ge [sflag:s22], s20  }
0xa0: {  	s5 =	ssub.s32 $0x0, s20;
	[sflag:s22] =	ssyncset.done $0x0  }
0xa1: {  	[sflag:s22] =	ssyncadd.s32 s5;
	_ =	sdelay $0x1  }
0xa2: {  	s23 =	simm.s32 $0x1B8B  }
0xa3: {  	_ =	swait.ge [sflag:s23], $0x1  }
0xa4: {  	[sflag:s23] =	ssyncset.done $0x0  }
0xa5: {  	s25 =	simm.s32 $0x1B8E;
	s24 =	sld [smem:$0x3FFE];
	[sflag:s23] =	ssyncadd.s32 $0xFFFFFFFF  }
0xa6: {  	s26 =	simm.s32 $execute0_lowered;
	[smem:$0x3FD2] =	sst s25  }
0xa7: {  	s6 =	sshll.u32 s26, $0x1;
	_ =	strace $0x80000046;
	[dreg:$0x1] =	wrdreg $0xFFFFFFFF  }
0xa8: {  	s28 =	simm.s32 $_size_execute0_lowered;
	s4 =	sadd.s32 s4, s6;
	[dreg:$0x0] =	wrdreg $0x0  }
0xa9: {  	s6 =	sshll.u32 s28, $0x1;
	[dreg:$0x2] =	wrdreg s4  }
0xaa: {  	[dreg:$0x3] =	wrdreg s6  }
0xab: {  	[dreg:$0x4] =	wrdreg $0xC0  }
0xac: {  	_ =	task [dreg:s8], $0x5FFFF  }
0xad: {  	[dreg:$0x1] =	wrdreg $0xFFFFFFFF  }
0xae: {  	[dreg:$0x0] =	wrdreg $0x60  }
0xaf: {  	[dreg:$0x2] =	wrdreg s2  }
0xb0: {  	[dreg:$0x3] =	wrdreg s18  }
0xb1: {  	[dreg:$0x4] =	wrdreg s24  }
0xb2: {  	[dreg:$0x5] =	wrdreg $0x9  }
0xb3: {  	_ =	task.clear_ibuf [dreg:s8], $0x6FFFF;
	_ =	strace $0x90000046  }
0xb4: {  	s29 =	simm.s32 $0x9;
	_ =	strace $0x80000048  }
0xb5: {  	_ =	swait.ge [sflag:s29], $0x1  }
0xb6: {  	[sflag:s29] =	ssyncadd.s32 $0xFFFFFFFF  }
0xb7: {  	_ =	strace $0x90000048  }
0xb8: {  	_ =	sfence  }
0xb9: {  	s30 =	sld [smem:$0x0];
	_ =	sdelay $0x2  }
0xba: {  	s31 =	sshll.u32 s1, $0xD;
	s1 =	sshrl.u32 s1, $0x2  }
0xbb: {  	s3 =	sand.u32 $0x4000, s31;
	s1 =	sadd.s32 s1, s30  }
0xbc: {  	s0 =	sor.u32 s3, s0;
	s1 =	sshll.u32 s1, $0x11  }
0xbd: {  	s0 =	sor.u32 s1, s0  }
0xbe: {  	s0 =	sadd.s32 $0x8F2B, s0  }
0xbf: {  	[sflag:s0] =	ssyncadd.remote.s32 $0x1  }
0xc0: {  	_ =	sfence.sel $0xFFFF  }
0xc1: {  	[dreg:$0x0] =	wrdreg $0xFFFFFFFF;
	(pc) =	sbr.abs _section_cstart, $3  }
0xc2: {  	[dreg:$0x1] =	wrdreg $0xFFFFFFFF  }
0xc3: {  	_ =	task.clear_ibuf [dreg:s8], $0x2FFFF;
	_ =	strace $0x9FFFFFFF  }
0xc4: {  	(tm) =	ssettm $0x7FFFFFFF  }
0xc5: {  	_ =	shalt  }
tec
execute0_lowered:
.L_overlay_start_1:
0x0: {  	(tag) =	ssettag $0x1  }
0x1: {  	s0 =	srdreg.scid  }
0x2: {  	s5 =	sand.u32 $0x1, s0;
	s0 =	stileid.u32  }
0x3: {  	s6 =	sor.u32 s0, s5  }
0x4: {  	p0 =	sne.s32 s6, $0x0  }
.Ltmp0:
0x5: {  	_ = 	snop;
	(pc) =	sbr.rel @p0 .LBB2_7-.Ltmp0, $4  }
0x6: {  	s1 =	rddreg [dreg:$0x0]  }
0x7: {  	s3 =	rddreg [dreg:$0x1]  }
0x8: {  	s4 =	rddreg [dreg:$0x2]  }
0x9: {  	s2 =	rddreg [dreg:$0x3];
	_ =	strace $0x80000047  }
0xa: {  	v0 =	vimm.f32 $0.0e+00;
	v1 =	vimm.f32 $1.000000000e+00  }
0xb: {  	vm0 =	vcmask $0x704;
	vm1 =	vcmask $0xB08;
	vm14 =	vcmask $0x3F3C  }
0xc: {  	vm2 =	vcmask $0xF0C;
	vm3 =	vcmask $0x1310;
	vm4 =	vcmask $0x1714  }
0xd: {  	s5 =	ssub.s32 $0x2, s5;
	vm5 =	vcmask $0x1B18;
	s4 =	sadd.s32 $0x3600, s4;
	vm6 =	vcmask $0x1F1C;
	vm7 =	vcmask $0x2320;
	s7 =	simm.s32 $0x1  }
0xe: {  	vm8 =	vcmask $0x2724;
	vm9 =	vcmask $0x2B28;
	vm10 =	vcmask $0x2F2C;
	s8 =	simm.s32 $0x800;
	s9 =	simm.s32 $0x2800;
	s6 =	sshrl.u32 s5, $0x1  }
0xf: {  	vm11 =	vcmask $0x3330;
	vm12 =	vcmask $0x3734;
	vm13 =	vcmask $0x3B38;
	s10 =	simm.s32 $0x0;
	s5 =	ssub.s32 s5, s6;
	s6 =	simm.s32 $0x0  }
.LBB2_2:
0x10: {  	[tilespmem:s6], [sflag:$0x1] =	stream.linear.gather [hbm4b:s1+s6], $0x800, $0x38;
	[tilespmem:$0x2880] =	vst v63  }
0x11: {  	_ =	swait.ge [sflag:s7], $0x800  }
0x12: {  	s11 =	sand.u32 $0x30, s6;
	s12 =	sand.u32 $0x1F80, s6;
	[sflag:s7] =	ssyncset.done $0x0  }
0x13: {  	s12 =	sor.u32 s11, s12;
	[sflag:s7] =	ssyncadd.s32 $0xFFFFF800  }
0x14: {  	s11 =	simm.s32 $0x10;
	[tilespmem:s12+$0x800] =	vst v0;
	s12 =	simm.s32 $0x0  }
.LBB2_3:
0x15: {  	p0 =	sne.s32 s11, $0xFF0  }
.Ltmp1:
0x16: {  	_ = 	snop;
	(pc) =	sbr.rel @p0 .LBB2_3-.Ltmp1, $4  }
0x17: {  	s12 =	sadd.s32 $0x20, s12  }
0x18: {  	s13 =	sand.u32 $0x30, s11;
	s14 =	sand.u32 $0x1F80, s12  }
0x19: {  	s13 =	sor.u32 s13, s14  }
0x1a: {  	s11 =	sadd.s32 $0x10, s11;
	[tilespmem:s13+$0x800] =	vst v0  }
0x1b: {  	[tilespmem:$0x2800] =	vst v0  }
0x1c: {  	[tilespmem:$0x2810] =	vst v0;
	s11 =	simm.s32 $0x0  }
0x1d: {  	[tilespmem:$0x2820] =	vst v0;
	s12 =	sand.u32 $0x70, s11;
	s11 =	sand.u32 $0x700, s11  }
0x1e: {  	[tilespmem:$0x2830] =	vst v0;
	s11 =	sor.u32 s12, s11  }
0x1f: {  	v3 =	vld [tilespmem:s11+$0x0]  }
0x20: {  	v2 =	vld [tilespmem:s11+$0x80];
	_ =	sdelay $0x4  }
0x21: {  	v4 =	vand.u32 $0xFFFFFF80, v3;
	v5 =	vshll.u32 v2, $0x7  }
0x22: {  	v3 =	vand.u32 $0x7F, v3;
	v4 =	vadd.s32 v4, v5  }
0x23: {  	v3 =	vor.u32 v3, v4;
	_ =	sdelay $0x4  }
0x24: {  	[tilespmem:v3+s8+$0x0] =	vst.idx.add.f32.msk $0x1, v1  }
0x25: {  	[tilespmem:v2+s9+$0x0] =	vst.idx.add.f32.msk $0x1, v1  }
0x26: {  	[tilespmem:v3+s8+$0x0] =	vst.idx.add.f32.msk vm0, v1  }
0x27: {  	[tilespmem:v2+s9+$0x0] =	vst.idx.add.f32.msk vm0, v1  }
0x28: {  	[tilespmem:v3+s8+$0x0] =	vst.idx.add.f32.msk vm1, v1  }
0x29: {  	[tilespmem:v2+s9+$0x0] =	vst.idx.add.f32.msk vm1, v1  }
0x2a: {  	[tilespmem:v3+s8+$0x0] =	vst.idx.add.f32.msk vm2, v1  }
0x2b: {  	[tilespmem:v2+s9+$0x0] =	vst.idx.add.f32.msk vm2, v1  }
0x2c: {  	[tilespmem:v3+s8+$0x0] =	vst.idx.add.f32.msk vm3, v1  }
0x2d: {  	[tilespmem:v2+s9+$0x0] =	vst.idx.add.f32.msk vm3, v1  }
0x2e: {  	[tilespmem:v3+s8+$0x0] =	vst.idx.add.f32.msk vm4, v1  }
0x2f: {  	[tilespmem:v2+s9+$0x0] =	vst.idx.add.f32.msk vm4, v1  }
0x30: {  	[tilespmem:v3+s8+$0x0] =	vst.idx.add.f32.msk vm5, v1  }
0x31: {  	[tilespmem:v2+s9+$0x0] =	vst.idx.add.f32.msk vm5, v1  }
0x32: {  	[tilespmem:v3+s8+$0x0] =	vst.idx.add.f32.msk vm6, v1  }
0x33: {  	[tilespmem:v2+s9+$0x0] =	vst.idx.add.f32.msk vm6, v1  }
0x34: {  	[tilespmem:v3+s8+$0x0] =	vst.idx.add.f32.msk vm7, v1  }
0x35: {  	[tilespmem:v2+s9+$0x0] =	vst.idx.add.f32.msk vm7, v1  }
0x36: {  	[tilespmem:v3+s8+$0x0] =	vst.idx.add.f32.msk vm8, v1  }
0x37: {  	[tilespmem:v2+s9+$0x0] =	vst.idx.add.f32.msk vm8, v1  }
0x38: {  	[tilespmem:v3+s8+$0x0] =	vst.idx.add.f32.msk vm9, v1  }
0x39: {  	[tilespmem:v2+s9+$0x0] =	vst.idx.add.f32.msk vm9, v1  }
0x3a: {  	[tilespmem:v3+s8+$0x0] =	vst.idx.add.f32.msk vm10, v1  }
0x3b: {  	[tilespmem:v2+s9+$0x0] =	vst.idx.add.f32.msk vm10, v1  }
0x3c: {  	[tilespmem:v3+s8+$0x0] =	vst.idx.add.f32.msk vm11, v1  }
0x3d: {  	[tilespmem:v2+s9+$0x0] =	vst.idx.add.f32.msk vm11, v1  }
0x3e: {  	[tilespmem:v3+s8+$0x0] =	vst.idx.add.f32.msk vm12, v1  }
0x3f: {  	[tilespmem:v2+s9+$0x0] =	vst.idx.add.f32.msk vm12, v1  }
0x40: {  	s31 =	simm.s32 $0x10;
	[tilespmem:v3+s8+$0x0] =	vst.idx.add.f32.msk vm13, v1  }
0x41: {  	s14 =	simm.s32 $0x20;
	s12 =	simm.s32 $0x20;
	s11 =	sand.u32 $0x70, s31;
	[tilespmem:v2+s9+$0x0] =	vst.idx.add.f32.msk vm13, v1  }
.LBB2_5:
0x42: {  	s13 =	smov.u32 s14  }
0x43: {  	s15 =	sand.u32 $0x70, s14;
	s16 =	sand.u32 $0x700, s12;
	[tilespmem:v3+s8+$0x0] =	vst.idx.add.f32.msk vm14, v1;
	s13 =	sadd.s32 $0x10, s14  }
0x44: {  	p0 =	sne.s32 s14, $0x3F0;
	s14 =	sor.u32 s11, s16;
	s11 =	smov.u32 s15;
	[tilespmem:v2+s9+$0x0] =	vst.idx.add.f32.msk vm14, v1  }
0x45: {  	v3 =	vld [tilespmem:s14+$0x0]  }
0x46: {  	v2 =	vld [tilespmem:s14+$0x80];
	_ =	sdelay $0x3  }
0x47: {  	v4 =	vand.u32 $0xFFFFFF80, v3  }
0x48: {  	v3 =	vand.u32 $0x7F, v3;
	v5 =	vshll.u32 v2, $0x7  }
0x49: {  	v4 =	vadd.s32 v4, v5  }
0x4a: {  	v3 =	vor.u32 v3, v4;
	_ =	sdelay $0x4  }
0x4b: {  	[tilespmem:v3+s8+$0x0] =	vst.idx.add.f32.msk $0x1, v1  }
0x4c: {  	[tilespmem:v2+s9+$0x0] =	vst.idx.add.f32.msk $0x1, v1  }
0x4d: {  	[tilespmem:v3+s8+$0x0] =	vst.idx.add.f32.msk vm0, v1  }
0x4e: {  	[tilespmem:v2+s9+$0x0] =	vst.idx.add.f32.msk vm0, v1  }
0x4f: {  	[tilespmem:v3+s8+$0x0] =	vst.idx.add.f32.msk vm1, v1  }
0x50: {  	[tilespmem:v2+s9+$0x0] =	vst.idx.add.f32.msk vm1, v1  }
0x51: {  	[tilespmem:v3+s8+$0x0] =	vst.idx.add.f32.msk vm2, v1  }
0x52: {  	[tilespmem:v2+s9+$0x0] =	vst.idx.add.f32.msk vm2, v1  }
0x53: {  	[tilespmem:v3+s8+$0x0] =	vst.idx.add.f32.msk vm3, v1  }
0x54: {  	[tilespmem:v2+s9+$0x0] =	vst.idx.add.f32.msk vm3, v1  }
0x55: {  	[tilespmem:v3+s8+$0x0] =	vst.idx.add.f32.msk vm4, v1  }
0x56: {  	[tilespmem:v2+s9+$0x0] =	vst.idx.add.f32.msk vm4, v1  }
0x57: {  	[tilespmem:v3+s8+$0x0] =	vst.idx.add.f32.msk vm5, v1  }
0x58: {  	[tilespmem:v2+s9+$0x0] =	vst.idx.add.f32.msk vm5, v1  }
0x59: {  	[tilespmem:v3+s8+$0x0] =	vst.idx.add.f32.msk vm6, v1  }
0x5a: {  	[tilespmem:v2+s9+$0x0] =	vst.idx.add.f32.msk vm6, v1  }
0x5b: {  	[tilespmem:v3+s8+$0x0] =	vst.idx.add.f32.msk vm7, v1  }
0x5c: {  	[tilespmem:v2+s9+$0x0] =	vst.idx.add.f32.msk vm7, v1  }
0x5d: {  	[tilespmem:v3+s8+$0x0] =	vst.idx.add.f32.msk vm8, v1  }
0x5e: {  	[tilespmem:v2+s9+$0x0] =	vst.idx.add.f32.msk vm8, v1  }
0x5f: {  	[tilespmem:v3+s8+$0x0] =	vst.idx.add.f32.msk vm9, v1  }
0x60: {  	[tilespmem:v2+s9+$0x0] =	vst.idx.add.f32.msk vm9, v1  }
0x61: {  	[tilespmem:v3+s8+$0x0] =	vst.idx.add.f32.msk vm10, v1  }
0x62: {  	[tilespmem:v2+s9+$0x0] =	vst.idx.add.f32.msk vm10, v1  }
0x63: {  	[tilespmem:v3+s8+$0x0] =	vst.idx.add.f32.msk vm11, v1  }
.Ltmp2:
0x64: {  	[tilespmem:v2+s9+$0x0] =	vst.idx.add.f32.msk vm11, v1;
	(pc) =	sbr.rel @p0 .LBB2_5-.Ltmp2, $4  }
0x65: {  	[tilespmem:v3+s8+$0x0] =	vst.idx.add.f32.msk vm12, v1  }
0x66: {  	[tilespmem:v2+s9+$0x0] =	vst.idx.add.f32.msk vm12, v1  }
0x67: {  	[tilespmem:v3+s8+$0x0] =	vst.idx.add.f32.msk vm13, v1  }
0x68: {  	s12 =	sadd.s32 $0x20, s12;
	s14 =	smov.u32 s13;
	[tilespmem:v2+s9+$0x0] =	vst.idx.add.f32.msk vm13, v1  }
0x69: {  	_ =	sdelay $0x4  }
0x6a: {  	s12 =	sand.u32 $0x700, s12;
	[tilespmem:v3+s8+$0x0] =	vst.idx.add.f32.msk vm14, v1  }
0x6b: {  	s11 =	sor.u32 s11, s12;
	[tilespmem:v2+s9+$0x0] =	vst.idx.add.f32.msk vm14, v1  }
0x6c: {  	v2 =	vld [tilespmem:s11+$0x0]  }
0x6d: {  	v3 =	vld [tilespmem:s11+$0x80];
	_ =	sdelay $0x4  }
0x6e: {  	v4 =	vand.u32 $0xFFFFFF80, v2;
	v5 =	vshll.u32 v3, $0x7  }
0x6f: {  	v2 =	vand.u32 $0x7F, v2;
	v4 =	vadd.s32 v4, v5  }
0x70: {  	v2 =	vor.u32 v2, v4;
	_ =	sdelay $0x4  }
0x71: {  	[tilespmem:v2+s8+$0x0] =	vst.idx.add.f32.msk $0x1, v1  }
0x72: {  	[tilespmem:v3+s9+$0x0] =	vst.idx.add.f32.msk $0x1, v1  }
0x73: {  	[tilespmem:v2+s8+$0x0] =	vst.idx.add.f32.msk vm0, v1  }
0x74: {  	[tilespmem:v3+s9+$0x0] =	vst.idx.add.f32.msk vm0, v1  }
0x75: {  	[tilespmem:v2+s8+$0x0] =	vst.idx.add.f32.msk vm1, v1  }
0x76: {  	[tilespmem:v3+s9+$0x0] =	vst.idx.add.f32.msk vm1, v1  }
0x77: {  	[tilespmem:v2+s8+$0x0] =	vst.idx.add.f32.msk vm2, v1  }
0x78: {  	[tilespmem:v3+s9+$0x0] =	vst.idx.add.f32.msk vm2, v1  }
0x79: {  	[tilespmem:v2+s8+$0x0] =	vst.idx.add.f32.msk vm3, v1  }
0x7a: {  	[tilespmem:v3+s9+$0x0] =	vst.idx.add.f32.msk vm3, v1  }
0x7b: {  	[tilespmem:v2+s8+$0x0] =	vst.idx.add.f32.msk vm4, v1  }
0x7c: {  	[tilespmem:v3+s9+$0x0] =	vst.idx.add.f32.msk vm4, v1  }
0x7d: {  	[tilespmem:v2+s8+$0x0] =	vst.idx.add.f32.msk vm5, v1  }
0x7e: {  	[tilespmem:v3+s9+$0x0] =	vst.idx.add.f32.msk vm5, v1  }
0x7f: {  	[tilespmem:v2+s8+$0x0] =	vst.idx.add.f32.msk vm6, v1  }
0x80: {  	[tilespmem:v3+s9+$0x0] =	vst.idx.add.f32.msk vm6, v1  }
0x81: {  	[tilespmem:v2+s8+$0x0] =	vst.idx.add.f32.msk vm7, v1  }
0x82: {  	[tilespmem:v3+s9+$0x0] =	vst.idx.add.f32.msk vm7, v1  }
0x83: {  	[tilespmem:v2+s8+$0x0] =	vst.idx.add.f32.msk vm8, v1  }
0x84: {  	[tilespmem:v3+s9+$0x0] =	vst.idx.add.f32.msk vm8, v1  }
0x85: {  	[tilespmem:v2+s8+$0x0] =	vst.idx.add.f32.msk vm9, v1  }
0x86: {  	[tilespmem:v3+s9+$0x0] =	vst.idx.add.f32.msk vm9, v1  }
0x87: {  	[tilespmem:v2+s8+$0x0] =	vst.idx.add.f32.msk vm10, v1  }
0x88: {  	[tilespmem:v3+s9+$0x0] =	vst.idx.add.f32.msk vm10, v1  }
0x89: {  	[tilespmem:v2+s8+$0x0] =	vst.idx.add.f32.msk vm11, v1  }
0x8a: {  	[tilespmem:v3+s9+$0x0] =	vst.idx.add.f32.msk vm11, v1  }
0x8b: {  	[tilespmem:v2+s8+$0x0] =	vst.idx.add.f32.msk vm12, v1  }
0x8c: {  	[tilespmem:v3+s9+$0x0] =	vst.idx.add.f32.msk vm12, v1  }
0x8d: {  	[tilespmem:v2+s8+$0x0] =	vst.idx.add.f32.msk vm13, v1  }
0x8e: {  	[tilespmem:v3+s9+$0x0] =	vst.idx.add.f32.msk vm13, v1  }
0x8f: {  	[tilespmem:v2+s8+$0x0] =	vst.idx.add.f32.msk vm14, v1  }
0x90: {  	[tilespmem:v3+s9+$0x0] =	vst.idx.add.f32.msk vm14, v1  }
0x91: {  	[hbm4b:s3+s6] =	stream.linear.scatter [tilespmem:s8], [sflag:$0x1], $0x2000, $0x38;
	[tilespmem:$0x2880] =	vst v63  }
0x92: {  	s10 =	sadd.s32 $0x1, s10;
	_ =	swait.ge [sflag:s7], $0x2000  }
0x93: {  	p0 =	sne.s32 s10, s5;
	[sflag:s7] =	ssyncset.done $0x0  }
.Ltmp3:
0x94: {  	[sflag:s7] =	ssyncadd.s32 $0xFFFFE000;
	(pc) =	sbr.rel @p0 .LBB2_2-.Ltmp3, $4  }
0x95: {  	[hbm4b:s4+s6] =	stream.linear.scatter [tilespmem:s9], [sflag:$0x1], $0x80, $0x38;
	[tilespmem:$0x2880] =	vst v63  }
0x96: {  	_ =	swait.ge [sflag:s7], $0x80  }
0x97: {  	[sflag:s7] =	ssyncset.done $0x0  }
0x98: {  	[sflag:s7] =	ssyncadd.s32 $0xFFFFFF80  }
.LBB2_7:
0x99: {  	_ =	sfence.sel $0x180000  }
0x9a: {  	[bflag:$0x0] =	sbarrier.arrive $0xFFFF  }
0x9b: {  	p0 =	sne.s32 s0, $0x0;
	_ =	strace $0x90000047  }
0x9c: {  	s0 =	sadd.s32 @!p0 $0x100000, s2;
	[bflag:$0x2] =	sbarrier.arrive $0xFFFF  }
0x9d: {  	[sflag:s0] =	ssyncadd.tile.s32 @!p0 $0x1;
	_ =	shalt  }
.Lfunc_end2:
_tile_overlayer_lowered:
.L_overlay_start_2:
0x9e: {  	(tag) =	ssettag $0x2  }
0x9f: {  	s0 =	rddreg [dreg:$0x0];
	s2 =	stileid.u32  }
0xa0: {  	s1 =	rddreg [dreg:$0x1];
	p0 =	sne.s32 s2, $0x0  }
0xa1: {  	s3 =	rddreg [dreg:$0x2];
	[bflag:$0x3] =	sbarrier.arrive $0xFFFF;
	s2 =	simm.s32 @!p0 $0x1C01  }
0xa2: {  	[timem:s3], [sflag:s2] =	dma.local @!p0 [hbm:s0], s1  }
0xa3: {  	s0 =	simm.s32 @!p0 $0x1  }
0xa4: {  	_ =	swait.ge @!p0 [sflag:s0], s1  }
0xa5: {  	s1 =	ssub.s32 @!p0 $0x0, s1;
	[sflag:s0] =	ssyncset.done @!p0 $0x0  }
0xa6: {  	[sflag:s0] =	ssyncadd.s32 @!p0 s1  }
0xa7: {  	[bflag:$0x3] =	sbarrier.arrive $0xFFFF  }
0xa8: {  	_ =	shalt  }

</sc_bundles>
